<compile_context>
chip_gen: v7x
topology: tpu7x:2x2x1
jax: 0.10.2.dev20260603
libtpu: 0.0.44.dev20260713+nightly
codegen_flags: <defaults>
</compile_context>

<pallas_src>
import jax
import jax.numpy as jnp
from jax import lax
from jax.experimental import pallas as pl
from jax.experimental.pallas import tpu as pltpu
from jax.experimental.pallas import tpu_sc as plsc

B, N, CIN, H = 4, 10000, 128, 128
C = CIN + H
RB = 1000
E = 320000
NSUB = 16
GCH = 128

_MESH = plsc.VectorSubcoreMesh(core_axis_name="c", subcore_axis_name="s")


def _dinv_block(dacc_ref):
    deg = dacc_ref[0, :, 0] + dacc_ref[1, :, 0]
    return lax.rsqrt(deg + 1.0)


def _scale_body(dacc_ref, x_ref, h_ref, y_ref):
    dinv = _dinv_block(dacc_ref)
    y_ref[:, :CIN] = dinv[:, None] * x_ref[...]
    y_ref[:, CIN:] = dinv[:, None] * h_ref[...]


def _scale(dacc, x_flat, h_flat):
    return pl.pallas_call(
        _scale_body,
        grid=(B, N // RB),
        in_specs=[
            pl.BlockSpec((2, RB, 256), lambda b, j: (0, j, 0)),
            pl.BlockSpec((RB, CIN), lambda b, j: (b * 10 + j, 0)),
            pl.BlockSpec((RB, CIN), lambda b, j: (b * 10 + j, 0)),
        ],
        out_specs=pl.BlockSpec((RB, C), lambda b, j: (b * 10 + j, 0)),
        out_shape=jax.ShapeDtypeStruct((B * N, C), jnp.float32),
    )(dacc, x_flat, h_flat)


def _lstm_body(agg_ref, y_ref, dacc_ref, c_ref, w_ref, b_ref, h_out, c_out):
    dinv = _dinv_block(dacc_ref)
    z = dinv[:, None] * (agg_ref[...] + y_ref[...])
    ifog = jnp.dot(z, w_ref[...], preferred_element_type=jnp.float32)
    ifog = ifog + b_ref[0]
    i = jax.nn.sigmoid(ifog[:, :H])
    f = jax.nn.sigmoid(ifog[:, H:2 * H])
    o = jax.nn.sigmoid(ifog[:, 2 * H:3 * H])
    g = jnp.tanh(ifog[:, 3 * H:])
    cn = f * c_ref[...] + i * g
    h_out[...] = o * jnp.tanh(cn)
    c_out[...] = cn


def _lstm(agg, y, dacc, c_flat, W, bias):
    return pl.pallas_call(
        _lstm_body,
        grid=(B, N // RB),
        in_specs=[
            pl.BlockSpec((RB, C), lambda b, j: (b * 10 + j, 0)),
            pl.BlockSpec((RB, C), lambda b, j: (b * 10 + j, 0)),
            pl.BlockSpec((2, RB, 256), lambda b, j: (0, j, 0)),
            pl.BlockSpec((RB, H), lambda b, j: (b * 10 + j, 0)),
            pl.BlockSpec((C, 4 * H), lambda b, j: (0, 0)),
            pl.BlockSpec((1, 4 * H), lambda b, j: (0, 0)),
        ],
        out_specs=[
            pl.BlockSpec((RB, H), lambda b, j: (b * 10 + j, 0)),
            pl.BlockSpec((RB, H), lambda b, j: (b * 10 + j, 0)),
        ],
        out_shape=[
            jax.ShapeDtypeStruct((B * N, H), jnp.float32),
            jax.ShapeDtypeStruct((B * N, H), jnp.float32),
        ],
    )(agg, y, dacc, c_flat, W, bias)


EC32 = E // 32
DF32 = EC32 // GCH
DT32 = EC32 - DF32 * GCH
ZU = N // 16


def _zero_rows(zbuf, out2d, row0, sid, nunits):
    def zu(i, _):
        u = i * NSUB + sid

        @pl.when(u < nunits)
        def _():
            pltpu.sync_copy(zbuf, out2d.at[pl.ds(row0 + u * 16, 16)])
        return 0
    lax.fori_loop(0, (nunits + NSUB - 1) // NSUB, zu, 0)


def _deg_body(edst, dacc, dbuf, tdbuf, ones_b, zbuf, sem):
    cid = lax.axis_index("c")
    sid = lax.axis_index("s")
    for i in range(16):
        for j in range(256 // 16):
            zbuf[i, pl.ds(j * 16, 16)] = jnp.zeros((16,), jnp.float32)
    for i in range(GCH):
        for j in range(256 // 16):
            ones_b[i, pl.ds(j * 16, 16)] = jnp.ones((16,), jnp.float32)

    _zero_rows(zbuf, dacc, cid * N, sid, ZU)
    plsc.subcore_barrier()

    base = (cid * NSUB + sid) * EC32
    roff = cid * N

    def chunk(j, _):
        pltpu.sync_copy(edst.at[pl.ds(base + j * GCH, GCH)], dbuf)
        for k in range(GCH // 16):
            dbuf[pl.ds(k * 16, 16)] = dbuf[pl.ds(k * 16, 16)] + roff
        pltpu.async_copy(ones_b, dacc.at[dbuf], sem, add=True).wait()
        return 0
    lax.fori_loop(0, DF32, chunk, 0)
    pltpu.sync_copy(edst.at[pl.ds(base + DF32 * GCH, DT32)], tdbuf)
    for k in range(DT32 // 16):
        tdbuf[pl.ds(k * 16, 16)] = tdbuf[pl.ds(k * 16, 16)] + roff
    pltpu.async_copy(ones_b.at[pl.ds(0, DT32)], dacc.at[tdbuf],
                     sem, add=True).wait()


def _deg(edst):
    return pl.kernel(
        _deg_body,
        out_type=jax.ShapeDtypeStruct((2 * N, 256), jnp.float32),
        mesh=_MESH,
        scratch_types=[
            pltpu.VMEM((GCH,), jnp.int32),
            pltpu.VMEM((DT32,), jnp.int32),
            pltpu.VMEM((GCH, 256), jnp.float32),
            pltpu.VMEM((16, 256), jnp.float32),
            pltpu.SemaphoreType.DMA,
        ],
    )(edst)


EC16 = E // NSUB
PF16 = EC16 // GCH
PT16 = EC16 - PF16 * GCH


def _prop_body(y, esrc, edst, agg,
               sbuf, dbuf, tsbuf, tdbuf, rbuf, trbuf, zbuf, gsem, ssem):
    cid = lax.axis_index("c")
    sid = lax.axis_index("s")
    zeros16 = jnp.zeros((16,), jnp.float32)
    for i in range(16):
        for j in range(C // 16):
            zbuf[i, pl.ds(j * 16, 16)] = zeros16

    for slot in range(2):
        _zero_rows(zbuf, agg, (cid * 2 + slot) * N, sid, ZU)
    plsc.subcore_barrier()

    ebase = sid * EC16

    def do_chunk(off, boff, sb, db, rb, sz):
        pltpu.sync_copy(esrc.at[pl.ds(ebase + off, sz)], sb)
        pltpu.sync_copy(edst.at[pl.ds(ebase + off, sz)], db)
        for k in range(sz // 16):
            sb[pl.ds(k * 16, 16)] = sb[pl.ds(k * 16, 16)] + boff
            db[pl.ds(k * 16, 16)] = db[pl.ds(k * 16, 16)] + boff
        pltpu.async_copy(y.at[sb], rb, gsem).wait()
        pltpu.async_copy(rb, agg.at[db], ssem, add=True).wait()

    for slot in range(2):
        boff = (cid * 2 + slot) * N

        def chunk(j, _):
            do_chunk(j * GCH, boff, sbuf, dbuf, rbuf, GCH)
            return 0
        lax.fori_loop(0, PF16, chunk, 0)
        do_chunk(PF16 * GCH, boff, tsbuf, tdbuf, trbuf, PT16)


def _prop(y, esrc, edst):
    return pl.kernel(
        _prop_body,
        out_type=jax.ShapeDtypeStruct((B * N, C), jnp.float32),
        mesh=_MESH,
        scratch_types=[
            pltpu.VMEM((GCH,), jnp.int32),
            pltpu.VMEM((GCH,), jnp.int32),
            pltpu.VMEM((PT16,), jnp.int32),
            pltpu.VMEM((PT16,), jnp.int32),
            pltpu.VMEM((GCH, C), jnp.float32),
            pltpu.VMEM((PT16, C), jnp.float32),
            pltpu.VMEM((16, C), jnp.float32),
            pltpu.SemaphoreType.DMA,
            pltpu.SemaphoreType.DMA,
        ],
    )(y, esrc, edst)


def kernel(x, h, c, edge_index, W, b):
    x_flat = x.reshape(B * N, CIN)
    h_flat = h.reshape(B * N, H)
    c_flat = c.reshape(B * N, H)

    deg = jnp.zeros((N,), jnp.float32).at[edge_index[1]].add(1.0)
    dacc = jnp.stack([jnp.broadcast_to(deg[:, None], (N, 256)),
                      jnp.zeros((N, 256), jnp.float32)])
    y = _scale(dacc, x_flat, h_flat)
    y3 = y.reshape(B, N, C)
    agg = jnp.zeros((B, N, C), jnp.float32).at[:, edge_index[1], :].add(
        y3[:, edge_index[0], :]).reshape(B * N, C)
    h_next, c_next = _lstm(agg, y, dacc, c_flat, W, b.reshape(1, 4 * H))
    return (h_next.reshape(B, N, H), c_next.reshape(B, N, H))

# --- scband reference (transcript-rebuilt; emitter-appended) ---
"""Pipeline reference for scband-gconv-lstmcell-43258910605774 (READ-ONLY COPY).

The authoritative reference and input builder live on the scoring server;
editing this copy changes nothing except your own understanding.
"""

import jax, jax.numpy as jnp
import numpy as np


def gcn_conv(x, edge_index, W, b, num_nodes):
    # PyG-style GCNConv: add self-loops, symmetric normalization, sum aggregation, bias after.
    src = edge_index[0]
    dst = edge_index[1]
    loop = jnp.arange(num_nodes, dtype=edge_index.dtype)
    src = jnp.concatenate([src, loop])
    dst = jnp.concatenate([dst, loop])
    ones = jnp.ones(src.shape[0], dtype=x.dtype)
    deg = jnp.zeros((num_nodes,), dtype=x.dtype).at[dst].add(ones)
    dinv = jnp.where(deg > 0, jax.lax.rsqrt(deg), 0.0)
    norm = dinv[src] * dinv[dst]
    xw = x @ W
    msg = norm[:, None] * jnp.take(xw, src, axis=0)
    out = jnp.zeros((num_nodes, W.shape[1]), dtype=x.dtype).at[dst].add(msg)
    return out + b


def setup_inputs(seed: int = 0) -> dict:
    key = jax.random.key(seed)
    ks = jax.random.split(key, 6)
    B, N, C_in, H = 4, 10000, 128, 128
    E = 320000
    x = jax.random.normal(ks[0], (B, N, C_in), dtype=jnp.float32)
    h = jax.random.normal(ks[1], (B, N, H), dtype=jnp.float32)
    c = jax.random.normal(ks[2], (B, N, H), dtype=jnp.float32)
    edge_index = jax.random.randint(ks[3], (2, E), 0, N, dtype=jnp.int32)
    C = C_in + H
    W = jax.random.normal(ks[4], (C, 4 * H), dtype=jnp.float32) * (1.0 / np.sqrt(C))
    b = jnp.zeros((4 * H,), dtype=jnp.float32)
    return {"x": x, "h": h, "c": c, "edge_index": edge_index, "W": W, "b": b}


def reference(x, h, c, edge_index, W, b):
    B, N, _ = x.shape
    H = h.shape[-1]
    E = edge_index.shape[1]
    # _batch_edge_index: offset edges per batch element
    offsets = (jnp.arange(B, dtype=edge_index.dtype) * N)
    ei_b = (edge_index[:, None, :] + offsets[None, :, None]).reshape(2, B * E)
    xh = jnp.concatenate([x.reshape(B * N, -1), h.reshape(B * N, -1)], axis=-1)
    ifog = gcn_conv(xh, ei_b, W, b, B * N)
    i = jax.nn.sigmoid(ifog[:, :H])
    f = jax.nn.sigmoid(ifog[:, H:2 * H])
    o = jax.nn.sigmoid(ifog[:, 2 * H:3 * H])
    g = jnp.tanh(ifog[:, 3 * H:])
    c_flat = c.reshape(B * N, -1)
    c_next = f * c_flat + i * g
    h_next = o * jnp.tanh(c_next)
    return (h_next.reshape(B, N, H), c_next.reshape(B, N, H))

if __name__ == "__main__":
    import jax
    _d = setup_inputs()
    print(jax.jit(kernel)(*tuple(_d.values())))

</pallas_src>

<mosaic_0001>
module attributes {stable_mosaic.version = 14 : i64} {
  func.func @_scale_body(%arg0: i32, %arg1: i32, %arg2: memref<2x1000x256xf32, #tpu.memory_space<vmem>>, %arg3: memref<1000x128xf32, #tpu.memory_space<vmem>>, %arg4: memref<1000x128xf32, #tpu.memory_space<vmem>>, %arg5: memref<1000x256xf32, #tpu.memory_space<vmem>>) attributes {dimension_semantics = [#tpu.dimension_semantics<arbitrary>, #tpu.dimension_semantics<arbitrary>], iteration_bounds = array<i64: 4, 10>, scalar_prefetch = 0 : i64, scratch_operands = 0 : i64, tpu.core_type = #tpu.core_type<tc>, window_params = [{transform_indices = @transform_0, window_bounds = array<i64: 2, 1000, 256>}, {transform_indices = @transform_1, window_bounds = array<i64: 1000, 128>}, {transform_indices = @transform_2, window_bounds = array<i64: 1000, 128>}, {transform_indices = @transform_3, window_bounds = array<i64: 1000, 256>}]} {
    %get3A = arith.constant 0 : index
    %get3A_0 = arith.constant 0 : index
    %get3A_1 = arith.constant 0 : index
    %get3A_2 = vector.load %arg2[%get3A, %get3A_0, %get3A_1] : memref<2x1000x256xf32, #tpu.memory_space<vmem>>, vector<1x1000x1xf32>
    %get3A_3 = vector.shape_cast %get3A_2 : vector<1x1000x1xf32> to vector<1000xf32>
    %get3A_4 = arith.constant 1 : index
    %get3A_5 = arith.constant 0 : index
    %get3A_6 = arith.constant 0 : index
    %get3A_7 = vector.load %arg2[%get3A_4, %get3A_5, %get3A_6] : memref<2x1000x256xf32, #tpu.memory_space<vmem>>, vector<1x1000x1xf32>
    %get3A_8 = vector.shape_cast %get3A_7 : vector<1x1000x1xf32> to vector<1000xf32>
    %add3A = arith.addf %get3A_3, %get3A_8 : vector<1000xf32>
    %add3A_9 = arith.constant 1.000000e+00 : f32
    %add3A_10 = vector.broadcast %add3A_9 : f32 to vector<1000xf32>
    %add3A_11 = arith.addf %add3A, %add3A_10 : vector<1000xf32>
    %rsqrt3A = math.rsqrt %add3A_11 : vector<1000xf32>
    %broadcast_in_dim3A = vector.shape_cast %rsqrt3A : vector<1000xf32> to vector<1000x1xf32>
    %get3A_12 = arith.constant 0 : index
    %get3A_13 = arith.constant 0 : index
    %get3A_14 = vector.load %arg3[%get3A_12, %get3A_13] : memref<1000x128xf32, #tpu.memory_space<vmem>>, vector<1000x128xf32>
    %mul3A = vector.broadcast %broadcast_in_dim3A : vector<1000x1xf32> to vector<1000x128xf32>
    %mul3A_15 = arith.mulf %mul3A, %get3A_14 : vector<1000x128xf32>
    %swap3A = arith.constant 0 : index
    %swap3A_16 = arith.constant 0 : index
    %swap3A_17 = vector.load %arg5[%swap3A, %swap3A_16] : memref<1000x256xf32, #tpu.memory_space<vmem>>, vector<1000x128xf32>
    tpu.vector_store %arg5[%swap3A, %swap3A_16], %mul3A_15 {strides = array<i32>} : memref<1000x256xf32, #tpu.memory_space<vmem>>, vector<1000x128xf32>,
    %broadcast_in_dim3A_18 = vector.shape_cast %rsqrt3A : vector<1000xf32> to vector<1000x1xf32>
    %get3A_19 = arith.constant 0 : index
    %get3A_20 = arith.constant 0 : index
    %get3A_21 = vector.load %arg4[%get3A_19, %get3A_20] : memref<1000x128xf32, #tpu.memory_space<vmem>>, vector<1000x128xf32>
    %mul3A_22 = vector.broadcast %broadcast_in_dim3A_18 : vector<1000x1xf32> to vector<1000x128xf32>
    %mul3A_23 = arith.mulf %mul3A_22, %get3A_21 : vector<1000x128xf32>
    %swap3A_24 = arith.constant 0 : index
    %swap3A_25 = arith.constant 128 : index
    %swap3A_26 = vector.load %arg5[%swap3A_24, %swap3A_25] : memref<1000x256xf32, #tpu.memory_space<vmem>>, vector<1000x128xf32>
    tpu.vector_store %arg5[%swap3A_24, %swap3A_25], %mul3A_23 {strides = array<i32>} : memref<1000x256xf32, #tpu.memory_space<vmem>>, vector<1000x128xf32>,
    return
  }
  func.func @transform_0(%arg0: i32, %arg1: i32) -> (i32, i32, i32) {
    %c0_i32 = arith.constant 0 : i32
    %c0_i32_0 = arith.constant 0 : i32
    %c0_i32_1 = arith.constant 0 : i32
    return %c0_i32, %arg1, %c0_i32_0 : i32, i32, i32
  }
  func.func @transform_1(%arg0: i32, %arg1: i32) -> (i32, i32) {
    %mul3A = arith.constant 10 : i32
    %mul3A_0 = arith.muli %arg0, %mul3A : i32
    %add3A = arith.addi %mul3A_0, %arg1 : i32
    %c0_i32 = arith.constant 0 : i32
    %c0_i32_1 = arith.constant 0 : i32
    return %add3A, %c0_i32 : i32, i32
  }
  func.func @transform_2(%arg0: i32, %arg1: i32) -> (i32, i32) {
    %mul3A = arith.constant 10 : i32
    %mul3A_0 = arith.muli %arg0, %mul3A : i32
    %add3A = arith.addi %mul3A_0, %arg1 : i32
    %c0_i32 = arith.constant 0 : i32
    %c0_i32_1 = arith.constant 0 : i32
    return %add3A, %c0_i32 : i32, i32
  }
  func.func @transform_3(%arg0: i32, %arg1: i32) -> (i32, i32) {
    %mul3A = arith.constant 10 : i32
    %mul3A_0 = arith.muli %arg0, %mul3A : i32
    %add3A = arith.addi %mul3A_0, %arg1 : i32
    %c0_i32 = arith.constant 0 : i32
    %c0_i32_1 = arith.constant 0 : i32
    return %add3A, %c0_i32 : i32, i32
  }
}

module attributes {stable_mosaic.version = 14 : i64} {
  func.func @_lstm_body(%arg0: i32, %arg1: i32, %arg2: memref<1000x256xf32, #tpu.memory_space<vmem>>, %arg3: memref<1000x256xf32, #tpu.memory_space<vmem>>, %arg4: memref<2x1000x256xf32, #tpu.memory_space<vmem>>, %arg5: memref<1000x128xf32, #tpu.memory_space<vmem>>, %arg6: memref<256x512xf32, #tpu.memory_space<vmem>>, %arg7: memref<1x512xf32, #tpu.memory_space<vmem>>, %arg8: memref<1000x128xf32, #tpu.memory_space<vmem>>, %arg9: memref<1000x128xf32, #tpu.memory_space<vmem>>) attributes {dimension_semantics = [#tpu.dimension_semantics<arbitrary>, #tpu.dimension_semantics<arbitrary>], iteration_bounds = array<i64: 4, 10>, scalar_prefetch = 0 : i64, scratch_operands = 0 : i64, tpu.core_type = #tpu.core_type<tc>, window_params = [{transform_indices = @transform_0, window_bounds = array<i64: 1000, 256>}, {transform_indices = @transform_1, window_bounds = array<i64: 1000, 256>}, {transform_indices = @transform_2, window_bounds = array<i64: 2, 1000, 256>}, {transform_indices = @transform_3, window_bounds = array<i64: 1000, 128>}, {pipeline_mode = #tpu.pipeline_mode<synchronous>, transform_indices = @transform_4, window_bounds = array<i64: 256, 512>}, {pipeline_mode = #tpu.pipeline_mode<synchronous>, transform_indices = @transform_5, window_bounds = array<i64: 1, 512>}, {transform_indices = @transform_6, window_bounds = array<i64: 1000, 128>}, {transform_indices = @transform_7, window_bounds = array<i64: 1000, 128>}]} {
    %get3A = arith.constant 0 : index
    %get3A_0 = arith.constant 0 : index
    %get3A_1 = arith.constant 0 : index
    %get3A_2 = vector.load %arg4[%get3A, %get3A_0, %get3A_1] : memref<2x1000x256xf32, #tpu.memory_space<vmem>>, vector<1x1000x1xf32>
    %get3A_3 = vector.shape_cast %get3A_2 : vector<1x1000x1xf32> to vector<1000xf32>
    %get3A_4 = arith.constant 1 : index
    %get3A_5 = arith.constant 0 : index
    %get3A_6 = arith.constant 0 : index
    %get3A_7 = vector.load %arg4[%get3A_4, %get3A_5, %get3A_6] : memref<2x1000x256xf32, #tpu.memory_space<vmem>>, vector<1x1000x1xf32>
    %get3A_8 = vector.shape_cast %get3A_7 : vector<1x1000x1xf32> to vector<1000xf32>
    %add3A = arith.addf %get3A_3, %get3A_8 : vector<1000xf32>
    %add3A_9 = arith.constant 1.000000e+00 : f32
    %add3A_10 = vector.broadcast %add3A_9 : f32 to vector<1000xf32>
    %add3A_11 = arith.addf %add3A, %add3A_10 : vector<1000xf32>
    %rsqrt3A = math.rsqrt %add3A_11 : vector<1000xf32>
    %broadcast_in_dim3A = vector.shape_cast %rsqrt3A : vector<1000xf32> to vector<1000x1xf32>
    %get3A_12 = arith.constant 0 : index
    %get3A_13 = arith.constant 0 : index
    %get3A_14 = vector.load %arg2[%get3A_12, %get3A_13] : memref<1000x256xf32, #tpu.memory_space<vmem>>, vector<1000x256xf32>
    %get3A_15 = arith.constant 0 : index
    %get3A_16 = arith.constant 0 : index
    %get3A_17 = vector.load %arg3[%get3A_15, %get3A_16] : memref<1000x256xf32, #tpu.memory_space<vmem>>, vector<1000x256xf32>
    %add3A_18 = arith.addf %get3A_14, %get3A_17 : vector<1000x256xf32>
    %mul3A = vector.broadcast %broadcast_in_dim3A : vector<1000x1xf32> to vector<1000x256xf32>
    %mul3A_19 = arith.mulf %mul3A, %add3A_18 : vector<1000x256xf32>
    %get3A_20 = arith.constant 0 : index
    %get3A_21 = arith.constant 0 : index
    %get3A_22 = vector.load %arg6[%get3A_20, %get3A_21] : memref<256x512xf32, #tpu.memory_space<vmem>>, vector<256x512xf32>
    %dot_general3A = arith.constant dense<0.000000e+00> : vector<1000x512xf32>
    %dot_general3A_23 = tpu.matmul %mul3A_19, %get3A_22, %dot_general3A {dimension_numbers = #tpu.dot_dimension_numbers<[1], [0], [0], [1], [0, 0, 1, 1], [], []>, transpose_lhs_hint = false} : vector<1000x256xf32>, vector<256x512xf32>, vector<1000x512xf32> -> vector<1000x512xf32>
    %get3A_24 = arith.constant 0 : index
    %get3A_25 = arith.constant 0 : index
    %get3A_26 = vector.load %arg7[%get3A_24, %get3A_25] : memref<1x512xf32, #tpu.memory_space<vmem>>, vector<1x512xf32>
    %get3A_27 = vector.shape_cast %get3A_26 : vector<1x512xf32> to vector<512xf32>
    %broadcast_in_dim3A_28 = vector.shape_cast %get3A_27 : vector<512xf32> to vector<1x512xf32>
    %add3A_29 = vector.broadcast %broadcast_in_dim3A_28 : vector<1x512xf32> to vector<1000x512xf32>
    %add3A_30 = arith.addf %dot_general3A_23, %add3A_29 : vector<1000x512xf32>
    %slice3A = vector.extract_strided_slice %add3A_30 {offsets = [0, 0], sizes = [1000, 128], strides = [1, 1]} : vector<1000x512xf32> to vector<1000x128xf32>
    %logistic3A = arith.negf %slice3A : vector<1000x128xf32>
    %logistic3A_31 = math.exp %logistic3A : vector<1000x128xf32>
    %logistic3A_32 = arith.constant 1.000000e+00 : f32
    %logistic3A_33 = vector.broadcast %logistic3A_32 : f32 to vector<1000x128xf32>
    %logistic3A_34 = arith.addf %logistic3A_33, %logistic3A_31 : vector<1000x128xf32>
    %logistic3A_35 = arith.divf %logistic3A_33, %logistic3A_34 : vector<1000x128xf32>
    %slice3A_36 = vector.extract_strided_slice %add3A_30 {offsets = [0, 128], sizes = [1000, 128], strides = [1, 1]} : vector<1000x512xf32> to vector<1000x128xf32>
    %logistic3A_37 = arith.negf %slice3A_36 : vector<1000x128xf32>
    %logistic3A_38 = math.exp %logistic3A_37 : vector<1000x128xf32>
    %logistic3A_39 = arith.constant 1.000000e+00 : f32
    %logistic3A_40 = vector.broadcast %logistic3A_39 : f32 to vector<1000x128xf32>
    %logistic3A_41 = arith.addf %logistic3A_40, %logistic3A_38 : vector<1000x128xf32>
    %logistic3A_42 = arith.divf %logistic3A_40, %logistic3A_41 : vector<1000x128xf32>
    %slice3A_43 = vector.extract_strided_slice %add3A_30 {offsets = [0, 256], sizes = [1000, 128], strides = [1, 1]} : vector<1000x512xf32> to vector<1000x128xf32>
    %logistic3A_44 = arith.negf %slice3A_43 : vector<1000x128xf32>
    %logistic3A_45 = math.exp %logistic3A_44 : vector<1000x128xf32>
    %logistic3A_46 = arith.constant 1.000000e+00 : f32
    %logistic3A_47 = vector.broadcast %logistic3A_46 : f32 to vector<1000x128xf32>
    %logistic3A_48 = arith.addf %logistic3A_47, %logistic3A_45 : vector<1000x128xf32>
    %logistic3A_49 = arith.divf %logistic3A_47, %logistic3A_48 : vector<1000x128xf32>
    %slice3A_50 = vector.extract_strided_slice %add3A_30 {offsets = [0, 384], sizes = [1000, 128], strides = [1, 1]} : vector<1000x512xf32> to vector<1000x128xf32>
    %tanh3A = math.tanh %slice3A_50 : vector<1000x128xf32>
    %get3A_51 = arith.constant 0 : index
    %get3A_52 = arith.constant 0 : index
    %get3A_53 = vector.load %arg5[%get3A_51, %get3A_52] : memref<1000x128xf32, #tpu.memory_space<vmem>>, vector<1000x128xf32>
    %mul3A_54 = arith.mulf %logistic3A_42, %get3A_53 : vector<1000x128xf32>
    %mul3A_55 = arith.mulf %logistic3A_35, %tanh3A : vector<1000x128xf32>
    %add3A_56 = arith.addf %mul3A_54, %mul3A_55 : vector<1000x128xf32>
    %tanh3A_57 = math.tanh %add3A_56 : vector<1000x128xf32>
    %mul3A_58 = arith.mulf %logistic3A_49, %tanh3A_57 : vector<1000x128xf32>
    %swap3A = arith.constant 0 : index
    %swap3A_59 = arith.constant 0 : index
    %swap3A_60 = vector.load %arg8[%swap3A, %swap3A_59] : memref<1000x128xf32, #tpu.memory_space<vmem>>, vector<1000x128xf32>
    tpu.vector_store %arg8[%swap3A, %swap3A_59], %mul3A_58 {strides = array<i32>} : memref<1000x128xf32, #tpu.memory_space<vmem>>, vector<1000x128xf32>,
    %swap3A_61 = arith.constant 0 : index
    %swap3A_62 = arith.constant 0 : index
    %swap3A_63 = vector.load %arg9[%swap3A_61, %swap3A_62] : memref<1000x128xf32, #tpu.memory_space<vmem>>, vector<1000x128xf32>
    tpu.vector_store %arg9[%swap3A_61, %swap3A_62], %add3A_56 {strides = array<i32>} : memref<1000x128xf32, #tpu.memory_space<vmem>>, vector<1000x128xf32>,
    return
  }
  func.func @transform_0(%arg0: i32, %arg1: i32) -> (i32, i32) {
    %mul3A = arith.constant 10 : i32
    %mul3A_0 = arith.muli %arg0, %mul3A : i32
    %add3A = arith.addi %mul3A_0, %arg1 : i32
    %c0_i32 = arith.constant 0 : i32
    %c0_i32_1 = arith.constant 0 : i32
    return %add3A, %c0_i32 : i32, i32
  }
  func.func @transform_1(%arg0: i32, %arg1: i32) -> (i32, i32) {
    %mul3A = arith.constant 10 : i32
    %mul3A_0 = arith.muli %arg0, %mul3A : i32
    %add3A = arith.addi %mul3A_0, %arg1 : i32
    %c0_i32 = arith.constant 0 : i32
    %c0_i32_1 = arith.constant 0 : i32
    return %add3A, %c0_i32 : i32, i32
  }
  func.func @transform_2(%arg0: i32, %arg1: i32) -> (i32, i32, i32) {
    %c0_i32 = arith.constant 0 : i32
    %c0_i32_0 = arith.constant 0 : i32
    %c0_i32_1 = arith.constant 0 : i32
    return %c0_i32, %arg1, %c0_i32_0 : i32, i32, i32
  }
  func.func @transform_3(%arg0: i32, %arg1: i32) -> (i32, i32) {
    %mul3A = arith.constant 10 : i32
    %mul3A_0 = arith.muli %arg0, %mul3A : i32
    %add3A = arith.addi %mul3A_0, %arg1 : i32
    %c0_i32 = arith.constant 0 : i32
    %c0_i32_1 = arith.constant 0 : i32
    return %add3A, %c0_i32 : i32, i32
  }
  func.func @transform_4(%arg0: i32, %arg1: i32) -> (i32, i32) {
    %c0_i32 = arith.constant 0 : i32
    %c0_i32_0 = arith.constant 0 : i32
    %c0_i32_1 = arith.constant 0 : i32
    return %c0_i32, %c0_i32_0 : i32, i32
  }
  func.func @transform_5(%arg0: i32, %arg1: i32) -> (i32, i32) {
    %c0_i32 = arith.constant 0 : i32
    %c0_i32_0 = arith.constant 0 : i32
    %c0_i32_1 = arith.constant 0 : i32
    return %c0_i32, %c0_i32_0 : i32, i32
  }
  func.func @transform_6(%arg0: i32, %arg1: i32) -> (i32, i32) {
    %mul3A = arith.constant 10 : i32
    %mul3A_0 = arith.muli %arg0, %mul3A : i32
    %add3A = arith.addi %mul3A_0, %arg1 : i32
    %c0_i32 = arith.constant 0 : i32
    %c0_i32_1 = arith.constant 0 : i32
    return %add3A, %c0_i32 : i32, i32
  }
  func.func @transform_7(%arg0: i32, %arg1: i32) -> (i32, i32) {
    %mul3A = arith.constant 10 : i32
    %mul3A_0 = arith.muli %arg0, %mul3A : i32
    %add3A = arith.addi %mul3A_0, %arg1 : i32
    %c0_i32 = arith.constant 0 : i32
    %c0_i32_1 = arith.constant 0 : i32
    return %add3A, %c0_i32 : i32, i32
  }
}

</mosaic_0001>

<sc_bundles>
// kernel: gather_offload_async_start
scs
__scs_entry_jumppad:
0x0: {  	(pc) =	sbr.rel $0x88, $3  }
0x1: {  	(tag) =	ssettag $0x0;
	lr =	simm.s32 $0x1  }
0x2: {  	[smem:$0x3F9B] =	sst lr;
	_ =	strace $0xD0000000  }
0x3: {  	_ = 	snop  }
0x4: {  	_ = 	snop  }
0x5: {  	_ = 	snop  }
0x6: {  	_ = 	snop  }
0x7: {  	_ = 	snop  }
__scs_overlays_trampoline_lowered:
0x8: {  	[smem:$0x3FAA] =	sst s0  }
0x9: {  	[smem:$0x3FAB] =	sst s1  }
0xa: {  	[smem:$0x3FAC] =	sst s2  }
0xb: {  	[smem:$0x3FAD] =	sst s3  }
0xc: {  	[smem:$0x3FAE] =	sst s4  }
0xd: {  	[smem:$0x3FAF] =	sst s5  }
0xe: {  	[smem:$0x3FB0] =	sst s6  }
0xf: {  	[smem:$0x3FB1] =	sst s7  }
0x10: {  	[smem:$0x3FB2] =	sst s8  }
0x11: {  	[smem:$0x3FB3] =	sst s9;
	s0 =	simm.s32 @!p0 $0x0  }
0x12: {  	s1 =	sld [smem:$0x3F99];
	s0 =	simm.s32 @p0 $0x1  }
0x13: {  	[smem:$0x3FB4] =	sst s0;
	s0 =	simm.s32 @!p1 $0x0  }
0x14: {  	s2 =	sld [smem:$0x3F98];
	s0 =	simm.s32 @p1 $0x1  }
0x15: {  	[smem:$0x3FB5] =	sst s0;
	s0 =	simm.s32 @!p2 $0x0  }
0x16: {  	s3 =	sld [smem:$0x3FDB];
	s0 =	simm.s32 @p2 $0x1  }
0x17: {  	s4 =	simm.s32 $0x1BF5;
	[smem:$0x3FB7] =	sst s0  }
0x18: {  	s0 =	sld [smem:$0x3F9A];
	_ =	swait.ge [sflag:s4], $0x0  }
0x19: {  	s7 =	sld [smem:$0x3F9B]  }
0x1a: {  	s8 =	sadd.s32 $0xFFFFE003, lr  }
0x1b: {  	s9 =	sadd.s32 $0xFFFFFEF7, lr;
	s5 =	simm.s32 $0xFFFFFFFF;
	p2 =	slt.u32 s8, $0xFFFFF086  }
0x1c: {  	p1 =	slt.u32 s9, $0xF7A;
	s5 =	simm.s32 @!p2 $0x0  }
0x1d: {  	s5 =	simm.s32 @p1 $0x1;
	p0 =	seq.s32 s7, s2  }
0x1e: {  	s7 =	smul.u32 @!p0 $0xF7A, s2;
	p2 =	seq.s32 @!p0 s5, $0x0  }
0x1f: {  	s9 =	smul.u32 $0xF7A, s1;
	s8 =	simm.s32 @!p0 $0x1BF5;
	p2 =	por !p2, p0  }
0x20: {  	[sflag:s8] =	ssyncset.s32 @!p0 $0xFFFFF086;
	s6 =	sadd.s32 @!p0 s3, s7;
	s7 =	simm.s32 @!p0 $0x108  }
0x21: {  	s3 =	sadd.s32 s3, s9;
	s6 =	sadd.s32 @!p0 $0x88, s6;
	s7 =	simm.s32 @p2 $0x1082  }
0x22: {  	[simem:s7], [sflag:s8] =	dma.local @!p0 [hbm:s6], $0xF7A  }
0x23: {  	s9 =	sor.u32 $0xD0000000, s2;
	s6 =	simm.s32 $0x108;
	_ =	swait.ge @!p0 [sflag:s8], $0x0  }
0x24: {  	s3 =	sadd.s32 $0x88, s3;
	s6 =	simm.s32 @!p1 $0x1082;
	[sflag:s4] =	ssyncset.s32 $0xFFFFF086  }
0x25: {  	[simem:s6], [sflag:s4] =	dma.local [hbm:s3], $0xF7A  }
0x26: {  	[smem:$0x3F9B] =	sst s1;
	(tag) =	ssettag s2;
	_ =	strace s9  }
0x27: {  	s1 =	sld [smem:$0x3FAB]  }
0x28: {  	s2 =	sld [smem:$0x3FAC]  }
0x29: {  	s4 =	sld [smem:$0x3FAE]  }
0x2a: {  	p0 =	seq.s32 s5, $0x0;
	s5 =	sld [smem:$0x3FAF]  }
0x2b: {  	s6 =	sld [smem:$0x3FB0]  }
0x2c: {  	s7 =	sld [smem:$0x3FB1]  }
0x2d: {  	s3 =	simm.s32 $0x108;
	s8 =	sld [smem:$0x3FB2]  }
0x2e: {  	s3 =	simm.s32 @!p0 $0x1082;
	s9 =	sld [smem:$0x3FB3]  }
0x2f: {  	lr =	sadd.s32 s0, s3;
	s0 =	sld [smem:$0x3FAA]  }
0x30: {  	s3 =	sld [smem:$0x3FAD]  }
0x31: {  	[smem:$0x3FB6] =	sst s10  }
0x32: {  	s10 =	sld [smem:$0x3FB4];
	_ =	sdelay $0x3  }
0x33: {  	p0 =	seq.s32 s10, $0x1;
	s10 =	sld [smem:$0x3FB6];
	_ =	sdelay $0x3  }
0x34: {  	[smem:$0x3FB6] =	sst s10  }
0x35: {  	s10 =	sld [smem:$0x3FB5];
	_ =	sdelay $0x3  }
0x36: {  	p1 =	seq.s32 s10, $0x1;
	s10 =	sld [smem:$0x3FB6];
	_ =	sdelay $0x3  }
0x37: {  	[smem:$0x3FB6] =	sst s10  }
0x38: {  	s10 =	sld [smem:$0x3FB7]  }
0x39: {  	_ = 	snop;
	(pc) =	sbr.ind lr, $3  }
0x3a: {  	_ = 	snop  }
0x3b: {  	_ = 	snop  }
0x3c: {  	p2 =	seq.s32 s10, $0x1;
	s10 =	sld [smem:$0x3FB6]  }
0x3d: {  	_ =	shalt  }
0x3e: {  	_ =	shalt  }
0x3f: {  	_ =	shalt  }
0x40: {  	_ =	shalt  }
0x41: {  	_ =	shalt  }
0x42: {  	_ =	shalt  }
0x43: {  	_ =	shalt  }
0x44: {  	_ =	shalt  }
0x45: {  	_ =	shalt  }
0x46: {  	_ =	shalt  }
0x47: {  	_ =	shalt  }
0x48: {  	_ =	shalt  }
0x49: {  	_ =	shalt  }
0x4a: {  	_ =	shalt  }
0x4b: {  	_ =	shalt  }
0x4c: {  	_ =	shalt  }
0x4d: {  	_ =	shalt  }
0x4e: {  	_ =	shalt  }
0x4f: {  	_ =	shalt  }
0x50: {  	_ =	shalt  }
0x51: {  	_ =	shalt  }
0x52: {  	_ =	shalt  }
0x53: {  	_ =	shalt  }
0x54: {  	_ =	shalt  }
0x55: {  	_ =	shalt  }
0x56: {  	_ =	shalt  }
0x57: {  	_ =	shalt  }
0x58: {  	_ =	shalt  }
0x59: {  	_ =	shalt  }
0x5a: {  	_ =	shalt  }
0x5b: {  	_ =	shalt  }
0x5c: {  	_ =	shalt  }
0x5d: {  	_ =	shalt  }
0x5e: {  	_ =	shalt  }
0x5f: {  	_ =	shalt  }
0x60: {  	_ =	shalt  }
0x61: {  	_ =	shalt  }
0x62: {  	_ =	shalt  }
0x63: {  	_ =	shalt  }
0x64: {  	_ =	shalt  }
0x65: {  	_ =	shalt  }
0x66: {  	_ =	shalt  }
0x67: {  	_ =	shalt  }
0x68: {  	_ =	shalt  }
0x69: {  	_ =	shalt  }
0x6a: {  	_ =	shalt  }
0x6b: {  	_ =	shalt  }
0x6c: {  	_ =	shalt  }
0x6d: {  	_ =	shalt  }
0x6e: {  	_ =	shalt  }
0x6f: {  	_ =	shalt  }
0x70: {  	_ =	shalt  }
0x71: {  	_ =	shalt  }
0x72: {  	_ =	shalt  }
0x73: {  	_ =	shalt  }
0x74: {  	_ =	shalt  }
0x75: {  	_ =	shalt  }
0x76: {  	_ =	shalt  }
0x77: {  	_ =	shalt  }
0x78: {  	_ =	shalt  }
0x79: {  	_ =	shalt  }
0x7a: {  	_ =	shalt  }
0x7b: {  	_ =	shalt  }
0x7c: {  	_ =	shalt  }
0x7d: {  	_ =	shalt  }
0x7e: {  	_ =	shalt  }
0x7f: {  	_ =	shalt  }
0x80: {  	_ =	shalt  }
0x81: {  	_ =	shalt  }
0x82: {  	_ =	shalt  }
0x83: {  	_ =	shalt  }
0x84: {  	_ =	shalt  }
0x85: {  	_ =	shalt  }
0x86: {  	_ =	shalt  }
0x87: {  	_ =	shalt  }
.Lfunc_end0:
.L_simem_size_0:
called_computation.3_lowered:
.L_overlay_start_0:
0x88: {  	s2 =	sld [smem:$0x3FD9]  }
0x89: {  	s3 =	sld [smem:$0x3FFE];
	_ =	sdelay $0x1  }
0x8a: {  	s1 =	srdreg.scid  }
0x8b: {  	s0 =	sand.u32 $0x1, s1  }
0x8c: {  	s14 =	sshll.u32 s0, $0xA;
	s2 =	sadd.s32 s3, s2  }
0x8d: {  	s2 =	sadd.s32 s2, s14  }
0x8e: {  	[smem:$0x3FC2] =	sst s2  }
0x8f: {  	_ = 	snop  }
0x90: {  	s2 =	sld [smem:$0x3FD0];
	_ =	sdelay $0x2  }
0x91: {  	s15 =	simm.s32 $0xA;
	s4 =	simm.s32 $0x10  }
0x92: {  	[smem:s4], [sflag:s15] =	dma.local [hbm:s2], $0x1  }
0x93: {  	_ =	swait.eq [sflag:s15], $0x1  }
0x94: {  	[sflag:s15] =	ssyncset.done $0x0  }
0x95: {  	[sflag:s15] =	ssyncadd.s32 $0xFFFFFFFF  }
0x96: {  	s16 =	sld [smem:$0x10];
	(tm) =	ssettm $0x1  }
0x97: {  	s17 =	sld [smem:$0x3FFB];
	_ =	sdelay $0x3  }
0x98: {  	_ =	strace s17  }
0x99: {  	s3 =	sld [smem:$0x3FFC];
	_ =	sdelay $0x3  }
0x9a: {  	_ =	strace s3  }
0x9b: {  	s3 =	sld [smem:$0x3FFD];
	_ =	sdelay $0x3  }
0x9c: {  	_ =	strace s3  }
0x9d: {  	_ =	strace $0x8FFFFFFF  }
0x9e: {  	s18 =	sld [smem:$0x3FDB];
	_ =	sdelay $0x1  }
0x9f: {  	s19 =	simm.s32 $_scs_section_size  }
0xa0: {  	s5 =	simm.s32 $_size__tile_overlayer_lowered;
	s6 =	simm.s32 $_tile_overlayer_lowered  }
0xa1: {  	s22 =	simm.s32 $0x1BFF;
	s21 =	sshll.u32 s6, $0x1;
	s3 =	sadd.s32 s19, s18  }
0xa2: {  	s7 =	simm.s32 $0x0;
	s20 =	sshll.u32 s5, $0x1;
	s5 =	sadd.s32 s21, s3  }
0xa3: {  	[timem:s7], [sflag:s22] =	dma.local [hbm:s5], s20  }
0xa4: {  	_ =	swait.ge [sflag:s22], s20  }
0xa5: {  	s4 =	ssub.s32 $0x0, s20;
	[sflag:s22] =	ssyncset.done $0x0  }
0xa6: {  	[sflag:s22] =	ssyncadd.s32 s4;
	_ =	sdelay $0x1  }
0xa7: {  	s23 =	simm.s32 $0x1B8B  }
0xa8: {  	_ =	swait.ge [sflag:s23], $0x1  }
0xa9: {  	[sflag:s23] =	ssyncset.done $0x0  }
0xaa: {  	s25 =	simm.s32 $0x1B8E;
	s24 =	sld [smem:$0x3FFE];
	[sflag:s23] =	ssyncadd.s32 $0xFFFFFFFF  }
0xab: {  	s26 =	simm.s32 $execute0_lowered;
	[smem:$0x3FD2] =	sst s25  }
0xac: {  	s5 =	sshll.u32 s26, $0x1;
	_ =	strace $0x8000004C;
	[dreg:$0x1] =	wrdreg $0xFFFFFFFF  }
0xad: {  	s28 =	simm.s32 $_size_execute0_lowered;
	s3 =	sadd.s32 s3, s5;
	[dreg:$0x0] =	wrdreg $0x0  }
0xae: {  	s5 =	sshll.u32 s28, $0x1;
	[dreg:$0x2] =	wrdreg s3  }
0xaf: {  	[dreg:$0x3] =	wrdreg s5  }
0xb0: {  	[dreg:$0x4] =	wrdreg $0xC0  }
0xb1: {  	_ =	task [dreg:s7], $0x5FFFF  }
0xb2: {  	[dreg:$0x1] =	wrdreg $0xFFFFFFFF  }
0xb3: {  	[dreg:$0x0] =	wrdreg $0x60  }
0xb4: {  	[dreg:$0x2] =	wrdreg s24  }
0xb5: {  	[dreg:$0x3] =	wrdreg s16  }
0xb6: {  	[dreg:$0x4] =	wrdreg $0x9  }
0xb7: {  	_ =	task.clear_ibuf [dreg:s7], $0x5FFFF;
	_ =	strace $0x9000004C  }
0xb8: {  	s29 =	simm.s32 $0x9;
	_ =	strace $0x8000004E  }
0xb9: {  	_ =	swait.ge [sflag:s29], $0x1  }
0xba: {  	[sflag:s29] =	ssyncadd.s32 $0xFFFFFFFF  }
0xbb: {  	_ =	strace $0x9000004E  }
0xbc: {  	_ =	sfence  }
0xbd: {  	s30 =	sld [smem:$0x0];
	_ =	sdelay $0x2  }
0xbe: {  	s31 =	sshll.u32 s1, $0xD;
	s1 =	sshrl.u32 s1, $0x2  }
0xbf: {  	s3 =	sand.u32 $0x4000, s31;
	s1 =	sadd.s32 s1, s30  }
0xc0: {  	s0 =	sor.u32 s3, s0;
	s1 =	sshll.u32 s1, $0x11  }
0xc1: {  	s0 =	sor.u32 s1, s0  }
0xc2: {  	s0 =	sadd.s32 $0x8F2B, s0  }
0xc3: {  	[sflag:s0] =	ssyncadd.remote.s32 $0x1  }
0xc4: {  	_ =	sfence.sel $0xFFFF  }
0xc5: {  	[dreg:$0x0] =	wrdreg $0xFFFFFFFF;
	(pc) =	sbr.abs _section_cstart, $3  }
0xc6: {  	[dreg:$0x1] =	wrdreg $0xFFFFFFFF  }
0xc7: {  	_ =	task.clear_ibuf [dreg:s7], $0x2FFFF;
	_ =	strace $0x9FFFFFFF  }
0xc8: {  	(tm) =	ssettm $0x7FFFFFFF  }
0xc9: {  	_ =	shalt  }
tec
execute0_lowered:
.L_overlay_start_1:
0x0: {  	(tag) =	ssettag $0x1  }
0x1: {  	s7 =	rddreg [dreg:$0x0]  }
0x2: {  	s2 =	rddreg [dreg:$0x1]  }
0x3: {  	s1 =	srdreg.scid;
	s0 =	rddreg [dreg:$0x2]  }
0x4: {  	_ =	strace $0x8000004D;
	s4 =	simm.s32 $0x1;
	s6 =	simm.s32 $0x2  }
0x5: {  	s9 =	simm.s32 $0x3;
	s14 =	simm.s32 $0x0;
	p0 =	por $0x0, $0x0  }
0x6: {  	s15 =	simm.s32 $0x0;
	s13 =	simm.s32 $0x0;
	s3 =	sshll.u32 s1, $0x4  }
.Ltmp0:
0x7: {  	s1 =	stileid.u32;
	s5 =	sand.u32 $0x10, s3;
	(pc) =	sbr.rel .LBB2_1-.Ltmp0, $4  }
0x8: {  	s10 =	simm.s32 $0x0;
	[sflag:s4] =	ssyncpa.u1 $0x0;
	s5 =	sor.u32 s1, s5  }
0x9: {  	s11 =	simm.s32 $0x0;
	[sflag:s6] =	ssyncpa.u1 $0x0;
	s5 =	smul.u32 $0x2710, s5  }
0xa: {  	s3 =	sadd.s32 $0x143C00, s7;
	s7 =	sadd.s32 $0x27C400, s7;
	[sflag:s9] =	ssyncpa.u1 $0x0  }
0xb: {  	vm0 =	vmmov $0xffff;
	s9 =	simm.s32 $0x0;
	s8 =	sadd.s32 $0x2710, s5;
	s12 =	smov.u32 s5  }
.LBB2_6:
0xc: {  	[hbm:s17] =	stream.linear.scatter [tilespmem:s14], [sflag:$0x3], $0x200, $0x38;
	[tilespmem:$0x140A0] =	vst v63  }
.LBB2_7:
0xd: {  	s16 =	sadd.s32 $0x80, s10;
	s13 =	sadd.s32 $0x4, s11  }
0xe: {  	s17 =	smov.u32 s11;
	s14 =	smov.u32 s12;
	p3 =	slt.u32 s9, $0x2  }
0xf: {  	s18 =	smov.u32 s5;
	s9 =	sadd.s32 $0x1, s9;
	p1 =	sgt.s32 s16, $0xFF  }
0x10: {  	s15 =	smov.u32 s11;
	s19 =	simm.s32 @!p3 $0x3;
	s17 =	smov.u32 @p1 s13  }
0x11: {  	s13 =	sadd.s32 $0x50, s12;
	s16 =	simm.s32 @p1 $0x0;
	p1 =	sne.s32 s9, $0xFC  }
.Ltmp1:
0x12: {  	_ =	swait.ge @!p3 [sflag:s19], $0xA000;
	p2 =	sgt.s32 s17, $0x3;
	(pc) =	sbr.rel @!p1 .LBB2_8-.Ltmp1, $4  }
0x13: {  	p0 =	por !p0, !p0;
	[sflag:s19] =	ssyncset.done @!p3 $0x0;
	s14 =	smov.u32 @p2 s13  }
0x14: {  	s17 =	simm.s32 @p2 $0x0;
	s13 =	smov.u32 s12;
	p4 =	slt.s32 s14, s8  }
0x15: {  	[sflag:s19] =	ssyncadd.s32 @!p3 $0xFFFF6000;
	s11 =	smov.u32 s17;
	s18 =	smov.u32 @p4 s14  }
0x16: {  	s14 =	smov.u32 s10;
	s10 =	smov.u32 s16;
	s12 =	smov.u32 s18  }
.LBB2_1:
0x17: {  	p1 =	sgt.u32 s9, $0xF9  }
0x18: {  	s16 =	sxor.u32 @!p1 $0xFFFFFFFF, s9  }
0x19: {  	s16 =	sand.u32 @!p1 $0x1, s16  }
0x1a: {  	s16 =	smul.u32 @!p1 $0x140, s16  }
0x1b: {  	s31 =	sadd.s32 $0xFFFFFFFF, s9;
	s17 =	sshrl.u32 @!p1 s12, $0x3  }
0x1c: {  	s18 =	sand.u32 @!p1 $0x7, s12;
	s17 =	sadd.s32 @!p1 s2, s17;
	s16 =	sshrl.u32 @!p1 s16, $0x2  }
0x1d: {  	[tilespmem:s16], [sflag:$0x2] =	stream.linear.gather @!p1 [hbm4b:s17+s18], $0x50, $0x38;
	[tilespmem:$0x140A0] =	vst v63  }
0x1e: {  	p1 =	sgt.u32 s31, $0xF9  }
.Ltmp2:
0x1f: {  	_ = 	snop;
	(pc) =	sbr.rel @p1 .LBB2_7-.Ltmp2, $1  }
0x20: {  	_ =	sdelay $0x3  }
0x21: {  	s18 =	simm.s32 $0x1  }
0x22: {  	s18 =	simm.s32 @!p0 $0x0  }
0x23: {  	s16 =	smul.u32 $0x140, s18  }
0x24: {  	_ =	swait.ge [sflag:s6], $0x50  }
0x25: {  	[sflag:s6] =	ssyncset.done $0x0;
	s17 =	sshrl.u32 s16, $0x2  }
0x26: {  	[sflag:s6] =	ssyncadd.s32 $0xFFFFFFB0;
	s16 =	sadd.s32 $0x0, s17  }
0x27: {  	v0 =	vld.msk [tilespmem:s16+$0x0 ss:$0x1], $0xffff;
	_ =	sdelay $0x4  }
0x28: {  	s15 =	sshll.u32 s15, $0x5;
	s14 =	sshrl.u32 s14, $0x1;
	vm1 =	vgt.s32 v0, $0x0  }
0x29: {  	s16 =	sand.u32 $0xFFFFFF80, s15;
	s15 =	sand.u32 $0x7FFFFFC0, s14;
	v0 =	vnsel vm1, $0x0, v0  }
0x2a: {  	s14 =	sadd.s32 s16, s15;
	v1 =	vmin.u32 v0, $0x270F  }
0x2b: {  	v0 =	vmov s14;
	v1 =	vshll.u32 v1, $0x7  }
0x2c: {  	v1 =	vadd.s32 v0, v1  }
0x2d: {  	s30 =	smul.u32 $0x28000, s18;
	_ =	sdelay $0x1  }
0x2e: {  	s14 =	sshrl.u32 s30, $0x2  }
0x2f: {  	s31 =	sadd.s32 $0x10, s17;
	s14 =	sor.u32 $0xA0, s14  }
0x30: {  	[tilespmem:s14], [sflag:$0x1] =	stream.indirect_vreg.gather [hbm:s3], $0x200, v1, vm0, $0x38;
	[tilespmem:$0x140A0] =	vst v63  }
0x31: {  	s19 =	simm.s32 $0x80;
	s18 =	smov.u32 s14;
	v1 =	vld.msk [tilespmem:s31+$0x0 ss:$0x1], $0xffff  }
.LBB2_3:
0x32: {  	p1 =	sne.s32 s19, $0x100;
	_ =	sdelay $0x4  }
0x33: {  	vm1 =	vgt.s32 v1, $0x0  }
0x34: {  	v1 =	vnsel vm1, $0x0, v1  }
0x35: {  	v1 =	vmin.u32 v1, $0x270F  }
0x36: {  	v1 =	vshll.u32 v1, $0x7  }
0x37: {  	v1 =	vadd.s32 v0, v1;
	_ =	sdelay $0x1  }
.Ltmp3:
0x38: {  	(pc) =	sbr.rel @p1 .LBB2_3-.Ltmp3, $4  }
0x39: {  	s20 =	sshra.s32 s19, $0x2  }
0x3a: {  	s18 =	sadd.s32 $0x2000, s18;
	s20 =	sadd.s32 s20, s17  }
0x3b: {  	[tilespmem:s18], [sflag:$0x1] =	stream.indirect_vreg.gather [hbm:s3], $0x200, v1, vm0, $0x38;
	[tilespmem:$0x140A0] =	vst v63  }
0x3c: {  	s19 =	sadd.s32 $0x40, s19;
	v1 =	vld.msk [tilespmem:s20+$0x0 ss:$0x1], $0xffff  }
0x3d: {  	_ =	sdelay $0x3  }
0x3e: {  	vm1 =	vgt.s32 v1, $0x0  }
0x3f: {  	v1 =	vnsel vm1, $0x0, v1  }
0x40: {  	v1 =	vmin.u32 v1, $0x270F  }
0x41: {  	v1 =	vshll.u32 v1, $0x7  }
0x42: {  	v0 =	vadd.s32 v0, v1;
	_ =	sdelay $0x2  }
0x43: {  	s13 =	sshll.u32 s13, $0x7  }
0x44: {  	s17 =	sadd.s32 $0x2000, s18;
	s13 =	sadd.s32 s13, s7  }
0x45: {  	[tilespmem:s17], [sflag:$0x1] =	stream.indirect_vreg.gather [hbm:s3], $0x200, v0, vm0, $0x38;
	[tilespmem:$0x140A0] =	vst v63  }
0x46: {  	s13 =	sadd.s32 s16, s13;
	_ =	swait.ge [sflag:s4], $0xA000  }
0x47: {  	s16 =	sadd.s32 $0x200, s14;
	s13 =	sadd.s32 s15, s13;
	[sflag:s4] =	ssyncset.done $0x0  }
0x48: {  	s15 =	simm.s32 $0x80;
	s17 =	sadd.s32 $0x0, s13;
	[sflag:s4] =	ssyncadd.s32 $0xFFFF6000  }
.LBB2_5:
0x49: {  	[hbm:s17] =	stream.linear.scatter [tilespmem:s14], [sflag:$0x3], $0x200, $0x38;
	[tilespmem:$0x140A0] =	vst v63  }
0x4a: {  	s17 =	smov.u32 s15;
	s14 =	smov.u32 s16;
	p1 =	sne.s32 s15, $0x2780  }
.Ltmp4:
0x4b: {  	s15 =	sadd.s32 $0x80, s15;
	(pc) =	sbr.rel @p1 .LBB2_5-.Ltmp4, $2  }
0x4c: {  	_ =	sdelay $0x2  }
0x4d: {  	s16 =	sadd.s32 $0x200, s16;
	s17 =	sadd.s32 s17, s13  }
.Ltmp5:
0x4e: {  	_ = 	snop;
	(pc) =	sbr.rel .LBB2_6-.Ltmp5, $1  }
0x4f: {  	_ =	sdelay $0x3  }
.LBB2_8:
0x50: {  	_ =	sfence.sel $0x180000  }
0x51: {  	s2 =	simm.s32 $0x2;
	[bflag:$0x0] =	sbarrier.arrive $0xFFFF  }
0x52: {  	s30 =	simm.s32 $0x3;
	[sflag:s2] =	ssyncpa.u1 $0x1  }
0x53: {  	s31 =	simm.s32 $0x1;
	[sflag:s30] =	ssyncpa.u1 $0x1  }
0x54: {  	[sflag:s31] =	ssyncpa.u1 $0x1  }
0x55: {  	p0 =	sne.s32 s1, $0x0;
	_ =	strace $0x9000004D  }
0x56: {  	s0 =	sadd.s32 @!p0 $0x100000, s0;
	[bflag:$0x2] =	sbarrier.arrive $0xFFFF  }
0x57: {  	[sflag:s0] =	ssyncadd.tile.s32 @!p0 $0x1;
	_ =	shalt  }
.Lfunc_end2:
_tile_overlayer_lowered:
.L_overlay_start_2:
0x58: {  	(tag) =	ssettag $0x2  }
0x59: {  	s0 =	rddreg [dreg:$0x0];
	s2 =	stileid.u32  }
0x5a: {  	s1 =	rddreg [dreg:$0x1];
	p0 =	sne.s32 s2, $0x0  }
0x5b: {  	s3 =	rddreg [dreg:$0x2];
	[bflag:$0x3] =	sbarrier.arrive $0xFFFF;
	s2 =	simm.s32 @!p0 $0x1C01  }
0x5c: {  	[timem:s3], [sflag:s2] =	dma.local @!p0 [hbm:s0], s1  }
0x5d: {  	s0 =	simm.s32 @!p0 $0x1  }
0x5e: {  	_ =	swait.ge @!p0 [sflag:s0], s1  }
0x5f: {  	s1 =	ssub.s32 @!p0 $0x0, s1;
	[sflag:s0] =	ssyncset.done @!p0 $0x0  }
0x60: {  	[sflag:s0] =	ssyncadd.s32 @!p0 s1  }
0x61: {  	[bflag:$0x3] =	sbarrier.arrive $0xFFFF  }
0x62: {  	_ =	shalt  }

// kernel: scatter_offload_async_start
scs
__scs_entry_jumppad:
0x0: {  	(pc) =	sbr.rel $0x88, $3  }
0x1: {  	(tag) =	ssettag $0x0;
	lr =	simm.s32 $0x1  }
0x2: {  	[smem:$0x3F9B] =	sst lr;
	_ =	strace $0xD0000000  }
0x3: {  	_ = 	snop  }
0x4: {  	_ = 	snop  }
0x5: {  	_ = 	snop  }
0x6: {  	_ = 	snop  }
0x7: {  	_ = 	snop  }
__scs_overlays_trampoline_lowered:
0x8: {  	[smem:$0x3FAA] =	sst s0  }
0x9: {  	[smem:$0x3FAB] =	sst s1  }
0xa: {  	[smem:$0x3FAC] =	sst s2  }
0xb: {  	[smem:$0x3FAD] =	sst s3  }
0xc: {  	[smem:$0x3FAE] =	sst s4  }
0xd: {  	[smem:$0x3FAF] =	sst s5  }
0xe: {  	[smem:$0x3FB0] =	sst s6  }
0xf: {  	[smem:$0x3FB1] =	sst s7  }
0x10: {  	[smem:$0x3FB2] =	sst s8  }
0x11: {  	[smem:$0x3FB3] =	sst s9;
	s0 =	simm.s32 @!p0 $0x0  }
0x12: {  	s1 =	sld [smem:$0x3F99];
	s0 =	simm.s32 @p0 $0x1  }
0x13: {  	[smem:$0x3FB4] =	sst s0;
	s0 =	simm.s32 @!p1 $0x0  }
0x14: {  	s2 =	sld [smem:$0x3F98];
	s0 =	simm.s32 @p1 $0x1  }
0x15: {  	[smem:$0x3FB5] =	sst s0;
	s0 =	simm.s32 @!p2 $0x0  }
0x16: {  	s3 =	sld [smem:$0x3FDB];
	s0 =	simm.s32 @p2 $0x1  }
0x17: {  	s4 =	simm.s32 $0x1BF5;
	[smem:$0x3FB7] =	sst s0  }
0x18: {  	s0 =	sld [smem:$0x3F9A];
	_ =	swait.ge [sflag:s4], $0x0  }
0x19: {  	s7 =	sld [smem:$0x3F9B]  }
0x1a: {  	s8 =	sadd.s32 $0xFFFFE003, lr  }
0x1b: {  	s9 =	sadd.s32 $0xFFFFFEF7, lr;
	s5 =	simm.s32 $0xFFFFFFFF;
	p2 =	slt.u32 s8, $0xFFFFF086  }
0x1c: {  	p1 =	slt.u32 s9, $0xF7A;
	s5 =	simm.s32 @!p2 $0x0  }
0x1d: {  	s5 =	simm.s32 @p1 $0x1;
	p0 =	seq.s32 s7, s2  }
0x1e: {  	s7 =	smul.u32 @!p0 $0xF7A, s2;
	p2 =	seq.s32 @!p0 s5, $0x0  }
0x1f: {  	s9 =	smul.u32 $0xF7A, s1;
	s8 =	simm.s32 @!p0 $0x1BF5;
	p2 =	por !p2, p0  }
0x20: {  	[sflag:s8] =	ssyncset.s32 @!p0 $0xFFFFF086;
	s6 =	sadd.s32 @!p0 s3, s7;
	s7 =	simm.s32 @!p0 $0x108  }
0x21: {  	s3 =	sadd.s32 s3, s9;
	s6 =	sadd.s32 @!p0 $0x88, s6;
	s7 =	simm.s32 @p2 $0x1082  }
0x22: {  	[simem:s7], [sflag:s8] =	dma.local @!p0 [hbm:s6], $0xF7A  }
0x23: {  	s9 =	sor.u32 $0xD0000000, s2;
	s6 =	simm.s32 $0x108;
	_ =	swait.ge @!p0 [sflag:s8], $0x0  }
0x24: {  	s3 =	sadd.s32 $0x88, s3;
	s6 =	simm.s32 @!p1 $0x1082;
	[sflag:s4] =	ssyncset.s32 $0xFFFFF086  }
0x25: {  	[simem:s6], [sflag:s4] =	dma.local [hbm:s3], $0xF7A  }
0x26: {  	[smem:$0x3F9B] =	sst s1;
	(tag) =	ssettag s2;
	_ =	strace s9  }
0x27: {  	s1 =	sld [smem:$0x3FAB]  }
0x28: {  	s2 =	sld [smem:$0x3FAC]  }
0x29: {  	s4 =	sld [smem:$0x3FAE]  }
0x2a: {  	p0 =	seq.s32 s5, $0x0;
	s5 =	sld [smem:$0x3FAF]  }
0x2b: {  	s6 =	sld [smem:$0x3FB0]  }
0x2c: {  	s7 =	sld [smem:$0x3FB1]  }
0x2d: {  	s3 =	simm.s32 $0x108;
	s8 =	sld [smem:$0x3FB2]  }
0x2e: {  	s3 =	simm.s32 @!p0 $0x1082;
	s9 =	sld [smem:$0x3FB3]  }
0x2f: {  	lr =	sadd.s32 s0, s3;
	s0 =	sld [smem:$0x3FAA]  }
0x30: {  	s3 =	sld [smem:$0x3FAD]  }
0x31: {  	[smem:$0x3FB6] =	sst s10  }
0x32: {  	s10 =	sld [smem:$0x3FB4];
	_ =	sdelay $0x3  }
0x33: {  	p0 =	seq.s32 s10, $0x1;
	s10 =	sld [smem:$0x3FB6];
	_ =	sdelay $0x3  }
0x34: {  	[smem:$0x3FB6] =	sst s10  }
0x35: {  	s10 =	sld [smem:$0x3FB5];
	_ =	sdelay $0x3  }
0x36: {  	p1 =	seq.s32 s10, $0x1;
	s10 =	sld [smem:$0x3FB6];
	_ =	sdelay $0x3  }
0x37: {  	[smem:$0x3FB6] =	sst s10  }
0x38: {  	s10 =	sld [smem:$0x3FB7]  }
0x39: {  	_ = 	snop;
	(pc) =	sbr.ind lr, $3  }
0x3a: {  	_ = 	snop  }
0x3b: {  	_ = 	snop  }
0x3c: {  	p2 =	seq.s32 s10, $0x1;
	s10 =	sld [smem:$0x3FB6]  }
0x3d: {  	_ =	shalt  }
0x3e: {  	_ =	shalt  }
0x3f: {  	_ =	shalt  }
0x40: {  	_ =	shalt  }
0x41: {  	_ =	shalt  }
0x42: {  	_ =	shalt  }
0x43: {  	_ =	shalt  }
0x44: {  	_ =	shalt  }
0x45: {  	_ =	shalt  }
0x46: {  	_ =	shalt  }
0x47: {  	_ =	shalt  }
0x48: {  	_ =	shalt  }
0x49: {  	_ =	shalt  }
0x4a: {  	_ =	shalt  }
0x4b: {  	_ =	shalt  }
0x4c: {  	_ =	shalt  }
0x4d: {  	_ =	shalt  }
0x4e: {  	_ =	shalt  }
0x4f: {  	_ =	shalt  }
0x50: {  	_ =	shalt  }
0x51: {  	_ =	shalt  }
0x52: {  	_ =	shalt  }
0x53: {  	_ =	shalt  }
0x54: {  	_ =	shalt  }
0x55: {  	_ =	shalt  }
0x56: {  	_ =	shalt  }
0x57: {  	_ =	shalt  }
0x58: {  	_ =	shalt  }
0x59: {  	_ =	shalt  }
0x5a: {  	_ =	shalt  }
0x5b: {  	_ =	shalt  }
0x5c: {  	_ =	shalt  }
0x5d: {  	_ =	shalt  }
0x5e: {  	_ =	shalt  }
0x5f: {  	_ =	shalt  }
0x60: {  	_ =	shalt  }
0x61: {  	_ =	shalt  }
0x62: {  	_ =	shalt  }
0x63: {  	_ =	shalt  }
0x64: {  	_ =	shalt  }
0x65: {  	_ =	shalt  }
0x66: {  	_ =	shalt  }
0x67: {  	_ =	shalt  }
0x68: {  	_ =	shalt  }
0x69: {  	_ =	shalt  }
0x6a: {  	_ =	shalt  }
0x6b: {  	_ =	shalt  }
0x6c: {  	_ =	shalt  }
0x6d: {  	_ =	shalt  }
0x6e: {  	_ =	shalt  }
0x6f: {  	_ =	shalt  }
0x70: {  	_ =	shalt  }
0x71: {  	_ =	shalt  }
0x72: {  	_ =	shalt  }
0x73: {  	_ =	shalt  }
0x74: {  	_ =	shalt  }
0x75: {  	_ =	shalt  }
0x76: {  	_ =	shalt  }
0x77: {  	_ =	shalt  }
0x78: {  	_ =	shalt  }
0x79: {  	_ =	shalt  }
0x7a: {  	_ =	shalt  }
0x7b: {  	_ =	shalt  }
0x7c: {  	_ =	shalt  }
0x7d: {  	_ =	shalt  }
0x7e: {  	_ =	shalt  }
0x7f: {  	_ =	shalt  }
0x80: {  	_ =	shalt  }
0x81: {  	_ =	shalt  }
0x82: {  	_ =	shalt  }
0x83: {  	_ =	shalt  }
0x84: {  	_ =	shalt  }
0x85: {  	_ =	shalt  }
0x86: {  	_ =	shalt  }
0x87: {  	_ =	shalt  }
.Lfunc_end0:
.L_simem_size_0:
called_computation_lowered:
.L_overlay_start_0:
0x88: {  	s0 =	sld [smem:$0x3FD9]  }
0x89: {  	s1 =	sld [smem:$0x3FFE];
	_ =	sdelay $0x3  }
0x8a: {  	s0 =	sadd.s32 s1, s0  }
0x8b: {  	[smem:$0x3FC2] =	sst s0  }
0x8c: {  	_ = 	snop  }
0x8d: {  	s0 =	sld [smem:$0x3FD0];
	_ =	sdelay $0x2  }
0x8e: {  	s13 =	simm.s32 $0xA;
	s2 =	simm.s32 $0x10  }
0x8f: {  	[smem:s2], [sflag:s13] =	dma.local [hbm:s0], $0x1  }
0x90: {  	_ =	swait.eq [sflag:s13], $0x1  }
0x91: {  	[sflag:s13] =	ssyncset.done $0x0  }
0x92: {  	[sflag:s13] =	ssyncadd.s32 $0xFFFFFFFF  }
0x93: {  	s14 =	sld [smem:$0x11];
	(tm) =	ssettm $0x1  }
0x94: {  	s15 =	sld [smem:$0x3FFB];
	_ =	sdelay $0x3  }
0x95: {  	_ =	strace s15  }
0x96: {  	s1 =	sld [smem:$0x3FFC];
	_ =	sdelay $0x3  }
0x97: {  	_ =	strace s1  }
0x98: {  	s1 =	sld [smem:$0x3FFD];
	_ =	sdelay $0x3  }
0x99: {  	_ =	strace s1  }
0x9a: {  	_ =	strace $0x8FFFFFFF  }
0x9b: {  	s16 =	sld [smem:$0x3FDB];
	_ =	sdelay $0x1  }
0x9c: {  	s17 =	simm.s32 $_scs_section_size  }
0x9d: {  	s3 =	simm.s32 $_size__tile_overlayer_lowered;
	s4 =	simm.s32 $_tile_overlayer_lowered  }
0x9e: {  	s20 =	simm.s32 $0x1BFF;
	s19 =	sshll.u32 s4, $0x1;
	s1 =	sadd.s32 s17, s16  }
0x9f: {  	s5 =	simm.s32 $0x0;
	s18 =	sshll.u32 s3, $0x1;
	s3 =	sadd.s32 s19, s1  }
0xa0: {  	[timem:s5], [sflag:s20] =	dma.local [hbm:s3], s18  }
0xa1: {  	_ =	swait.ge [sflag:s20], s18  }
0xa2: {  	s2 =	ssub.s32 $0x0, s18;
	[sflag:s20] =	ssyncset.done $0x0  }
0xa3: {  	[sflag:s20] =	ssyncadd.s32 s2;
	_ =	sdelay $0x1  }
0xa4: {  	s21 =	simm.s32 $0x1B8B  }
0xa5: {  	_ =	swait.ge [sflag:s21], $0x1  }
0xa6: {  	[sflag:s21] =	ssyncset.done $0x0  }
0xa7: {  	s23 =	simm.s32 $0x1B8E;
	s22 =	sld [smem:$0x3FFE];
	[sflag:s21] =	ssyncadd.s32 $0xFFFFFFFF  }
0xa8: {  	s24 =	simm.s32 $execute0_lowered;
	[smem:$0x3FD2] =	sst s23  }
0xa9: {  	s3 =	sshll.u32 s24, $0x1;
	_ =	strace $0x80000046;
	[dreg:$0x1] =	wrdreg $0xFFFFFFFF  }
0xaa: {  	s25 =	simm.s32 $_size_execute0_lowered;
	s1 =	sadd.s32 s1, s3;
	[dreg:$0x0] =	wrdreg $0x0  }
0xab: {  	s3 =	sshll.u32 s25, $0x1;
	[dreg:$0x2] =	wrdreg s1  }
0xac: {  	[dreg:$0x3] =	wrdreg s3  }
0xad: {  	[dreg:$0x4] =	wrdreg $0xC0  }
0xae: {  	_ =	task [dreg:s5], $0x5FFFF  }
0xaf: {  	[dreg:$0x1] =	wrdreg $0xFFFFFFFF  }
0xb0: {  	[dreg:$0x0] =	wrdreg $0x60  }
0xb1: {  	[dreg:$0x2] =	wrdreg s22  }
0xb2: {  	[dreg:$0x3] =	wrdreg s14  }
0xb3: {  	[dreg:$0x4] =	wrdreg $0x9  }
0xb4: {  	_ =	task.clear_ibuf [dreg:s5], $0x5FFFF;
	_ =	strace $0x90000046  }
0xb5: {  	s26 =	simm.s32 $0x9;
	_ =	strace $0x80000048  }
0xb6: {  	_ =	swait.ge [sflag:s26], $0x1  }
0xb7: {  	[sflag:s26] =	ssyncadd.s32 $0xFFFFFFFF  }
0xb8: {  	_ =	strace $0x90000048  }
0xb9: {  	_ =	sfence  }
0xba: {  	s28 =	sld [smem:$0x0];
	_ =	sdelay $0x1  }
0xbb: {  	s29 =	srdreg.scid  }
0xbc: {  	s30 =	sshll.u32 s29, $0xD;
	s31 =	sshrl.u32 s29, $0x2  }
0xbd: {  	s2 =	sand.u32 $0x4000, s30;
	s1 =	sand.u32 $0x1, s29;
	s0 =	sadd.s32 s31, s28  }
0xbe: {  	s1 =	sor.u32 s2, s1;
	s0 =	sshll.u32 s0, $0x11  }
0xbf: {  	s0 =	sor.u32 s0, s1  }
0xc0: {  	s0 =	sadd.s32 $0x8F2B, s0  }
0xc1: {  	[sflag:s0] =	ssyncadd.remote.s32 $0x1  }
0xc2: {  	_ =	sfence.sel $0xFFFF  }
0xc3: {  	[dreg:$0x0] =	wrdreg $0xFFFFFFFF;
	(pc) =	sbr.abs _section_cstart, $3  }
0xc4: {  	[dreg:$0x1] =	wrdreg $0xFFFFFFFF  }
0xc5: {  	_ =	task.clear_ibuf [dreg:s5], $0x2FFFF;
	_ =	strace $0x9FFFFFFF  }
0xc6: {  	(tm) =	ssettm $0x7FFFFFFF  }
0xc7: {  	_ =	shalt  }
tec
execute0_lowered:
.L_overlay_start_1:
0x0: {  	(tag) =	ssettag $0x1  }
0x1: {  	s0 =	rddreg [dreg:$0x0]  }
0x2: {  	s3 =	rddreg [dreg:$0x1];
	_ =	strace $0x80000047;
	s15 =	stileid.u32  }
0x3: {  	s2 =	simm.s32 $0x1;
	s1 =	smin.u32 s15, $0x8;
	s4 =	sshll.u32 s15, $0x1  }
0x4: {  	v1 =	vimm.s32 $0xFFFFFFFF;
	[sflag:s2] =	ssyncpa.u1 $0x0;
	s1 =	sadd.s32 s1, s4  }
0x5: {  	p0 =	slt.u32 s15, $0x8;
	[tilespmem:$0x10] =	vst v1;
	s5 =	smul.u32 $0x1F40, s1;
	s1 =	simm.s32 $0x5DC0  }
0x6: {  	v0 =	vimm.f32 $0.0e+00;
	[tilespmem:$0x20] =	vst v1;
	s1 =	simm.s32 @!p0 $0x3E80  }
0x7: {  	[tilespmem:$0x30] =	vst v0;
	s1 =	sadd.s32 s1, s5  }
0x8: {  	[tilespmem:$0x40] =	vst v0;
	s6 =	smin.u32 s1, $0x4E200  }
0x9: {  	s7 =	simm.s32 $0x2;
	[tilespmem:$0x50] =	vst v0;
	s9 =	ssub.s32 s6, s5  }
0xa: {  	s8 =	simm.s32 $0x8;
	s31 =	simm.s32 $0x9;
	[tilespmem:$0x60] =	vst v1;
	p0 =	sgt.s32 s9, $0x0  }
0xb: {  	s16 =	simm.s32 $0x0;
	s17 =	simm.s32 $0xF0;
	[tilespmem:$0x70] =	vst v1;
	s9 =	simm.s32 @!p0 $0x0  }
0xc: {  	s18 =	simm.s32 $0xFFFFFFFF;
	s19 =	simm.s32 $0xFFFFC280;
	[tilespmem:$0x80] =	vst v1;
	s30 =	smulhi.u32 $0x10624DD3, s9  }
0xd: {  	s20 =	simm.s32 $0xFFFFFFFE;
	s21 =	simm.s32 $0xF;
	s25 =	simm.s32 $0x0;
	v1 =	vimm.s32 $0x0;
	[tilespmem:$0xB0] =	vst v0  }
0xe: {  	s24 =	simm.s32 $0x0;
	s15 =	sshllo.u32 s15, $0x1;
	[tilespmem:$0x90] =	vst v1;
	s10 =	sshrl.u32 s30, $0x9  }
0xf: {  	[tilespmem:$0xA0] =	vst v1;
	[sflag:s7] =	ssyncpa.u1 $0x0;
	s7 =	simm.s32 $0x7;
	s11 =	smul.u32 $0x1F40, s10  }
.Ltmp0:
0x10: {  	s13 =	sor.u32 $0x80, s4;
	[sflag:s7] =	ssyncpa.u1 $0x0;
	(pc) =	sbr.rel .LBB2_1-.Ltmp0, $4  }
0x11: {  	s14 =	sor.u32 $0x81, s4;
	[sflag:s8] =	ssyncpa.u1 $0x0;
	p0 =	sne.s32 s9, s11  }
0x12: {  	s23 =	smov.u32 s5;
	s1 =	sadd.s32 $0x15200, s0;
	s2 =	simm.s32 @!p0 $0x0  }
0x13: {  	vm0 =	vmmov $0xffff;
	v2 =	vlaneseq.u32;
	[sflag:s31] =	ssyncpa.u1 $0x0;
	s9 =	sadd.s32 $0xB400, s0;
	s10 =	sadd.s32 s2, s10  }
0x14: {  	vm1 =	vmxor vm1, vm1;
	vm2 =	vmmov $0x1;
	vm3 =	vcmask $0x3F3C;
	p0 =	por $0x0, $0x0;
	s11 =	sadd.s32 $0x1, s10;
	s12 =	sadd.s32 $0x2, s10  }
.LBB2_9:
0x15: {  	p1 =	slt.u32 s24, $0x3  }
0x16: {  	s0 =	simm.s32 @!p1 $0x2  }
0x17: {  	_ =	swait.ge @!p1 [sflag:s0], $0x1F40  }
0x18: {  	[sflag:s0] =	ssyncset.done @!p1 $0x0  }
0x19: {  	[sflag:s0] =	ssyncadd.s32 @!p1 $0xFFFFE0C0;
	s0 =	simm.s32 @!p1 $0x9  }
0x1a: {  	_ =	swait.ge @!p1 [sflag:s0], $0x10  }
0x1b: {  	[sflag:s0] =	ssyncset.done @!p1 $0x0  }
0x1c: {  	[sflag:s0] =	ssyncadd.s32 @!p1 $0xFFFFFFF0;
	p1 =	sne.s32 s24, s12  }
.Ltmp1:
0x1d: {  	s2 =	sadd.s32 $0x1F40, s23;
	(pc) =	sbr.rel @!p1 .LBB2_10-.Ltmp1, $4  }
0x1e: {  	s22 =	smov.u32 s5;
	s31 =	sadd.s32 $0x1, s24;
	s17 =	sadd.s32 $0x1F40, s17  }
0x1f: {  	s18 =	sadd.s32 $0x1, s18;
	s25 =	smov.u32 s23;
	p2 =	slt.s32 s2, s6  }
0x20: {  	p0 =	por !p0, !p0;
	s19 =	sadd.s32 $0x1F40, s19;
	s22 =	smov.u32 @p2 s2  }
0x21: {  	s20 =	sadd.s32 $0x1, s20;
	s23 =	smov.u32 s22;
	s24 =	smov.u32 s31  }
.LBB2_1:
0x22: {  	p1 =	sge.u32 s24, s10  }
0x23: {  	s0 =	smulhi.u32 @!p1 $0xAAAAAAAB, s24;
	_ =	sdelay $0x1  }
0x24: {  	s0 =	sshrl.u32 @!p1 s0, $0x1  }
0x25: {  	s0 =	smul.u32 @!p1 $0x3, s0;
	_ =	sdelay $0x1  }
0x26: {  	s0 =	ssub.s32 @!p1 s24, s0  }
0x27: {  	s0 =	smul.u32 @!p1 $0x7D00, s0;
	_ =	sdelay $0x1  }
0x28: {  	s2 =	sshrl.u32 @!p1 s23, $0x3;
	s0 =	sshrl.u32 @!p1 s0, $0x2  }
0x29: {  	s22 =	sand.u32 @!p1 $0x7, s23;
	s2 =	sadd.s32 @!p1 s3, s2;
	s0 =	sadd.s32 @!p1 $0x100, s0  }
0x2a: {  	[tilespmem:s0], [sflag:$0x7] =	stream.linear.gather @!p1 [hbm4b:s2+s22], $0x1F40, $0x38;
	[tilespmem:$0x11A60] =	vst v63  }
0x2b: {  	s0 =	sadd.s32 $0xFFFFFFFF, s24  }
0x2c: {  	p1 =	sge.u32 s0, s10  }
.Ltmp2:
0x2d: {  	_ = 	snop;
	(pc) =	sbr.rel @p1 .LBB2_5-.Ltmp2, $1  }
0x2e: {  	_ =	sdelay $0x3  }
0x2f: {  	s2 =	smulhi.u32 $0xAAAAAAAB, s0;
	_ =	sdelay $0x1  }
0x30: {  	s2 =	sshrl.u32 s2, $0x1  }
0x31: {  	s2 =	smul.u32 $0x3, s2;
	_ =	sdelay $0x1  }
0x32: {  	s2 =	ssub.s32 s0, s2  }
0x33: {  	s2 =	smul.u32 $0x7D00, s2  }
0x34: {  	_ =	swait.ge [sflag:s7], $0x1F40  }
0x35: {  	[sflag:s7] =	ssyncset.done $0x0;
	s2 =	sshrl.u32 s2, $0x2  }
0x36: {  	[sflag:s7] =	ssyncadd.s32 $0xFFFFE0C0;
	(ifvalue) =	ssetifvalue $0xFFFFFFFF;
	v3 =	vld.msk [tilespmem:s2+$0x100 ss:$0x1], $0xffff;
	_ =	sdelay $0x2  }
0x37: {  	s30 =	smulhi.u32 $0xAAAAAAAB, s18;
	p1 =	sne.s32 s24, $0x1  }
0x38: {  	v4 =	vimm.s32 @!p1 $0x0  }
0x39: {  	s2 =	sshrl.u32 s30, $0x1;
	v4 =	vperm.xlane @!p1 v3, v4  }
0x3a: {  	s22 =	sshll.u32 s24, $0x4;
	s2 =	smul.u32 $0xFFFE8900, s2;
	vm4 =	vlt.u32 v3, $0x2800  }
0x3b: {  	s22 =	sand.u32 $0x10, s22;
	v3 =	vnsel vm4, $0xFFFFFFFE, v3;
	vm4 =	vlt.u32 @!p1 v4, $0x2800  }
0x3c: {  	s2 =	sshra.s32 s2, $0x2;
	[tilespmem:s22+$0x60] =	vst v3;
	v3 =	vnsel @!p1 vm4, $0xFFFFFFFE, v4  }
0x3d: {  	s28 =	sadd.s32 s2, s17;
	[tilespmem:$0x80] =	vst @!p1 v3  }
0x3e: {  	v3 =	vld.msk [tilespmem:s28+$0x0 ss:$0x1], $0xffff;
	_ =	sdelay $0x4  }
0x3f: {  	(xrf1) =	vunique.msk.u32 $0xffff, v3;
	_ =	sdelay $0xd  }
0x40: {  	v4 =	vimm.s32 $0xFFFFFFFF;
	v5, _, _ =	vpop (xrf1)  }
0x41: {  	vm5 =	vne.s32 v3, v4;
	vm4 =	veq.s32 v5, v2  }
0x42: {  	vm6 =	vlt.u32 v3, $0x2800;
	vm4 =	vmand vm5, vm4  }
0x43: {  	vm4 =	vmand vm6, vm4  }
0x44: {  	v4 =	vnsel vm4, $0xFFFFFFFF, v3  }
0x45: {  	s31 =	sand.u32 $0x1, s0  }
0x46: {  	s0 =	simm.s32 $0x1F40;
	p1 =	seq.s32 s31, $0x1  }
0x47: {  	s0 =	simm.s32 @!p1 $0x0  }
0x48: {  	s26 =	sadd.s32 $0x7DF0, s0;
	(ifvalue) =	ssetifvalue $0xFFFFFFFF  }
0x49: {  	v3 =	vperm.xlane v3, v1;
	[tilespmem:s26], [sflag:$0x8] =	stream.indirect_vreg.gather [hbm4b:s1+s16], $0x1, v4, vm0, $0x4038;
	v4 =	vnsel vm6, $0xFFFFFFFE, v4;
	[tilespmem:$0x11A60] =	vst v63  }
0x4a: {  	s2 =	simm.s32 $0x0;
	s22 =	sadd.s32 $0xFFFFFFF0, s28;
	[tilespmem:s28+$0x0] =	vst v4  }
.LBB2_3:
0x4b: {  	v4 =	vld.msk [tilespmem:s22+$0x0 ss:$0x1], $0xffff;
	s2 =	sadd.s32 $0x10, s2;
	v5 =	vmov v3;
	s28 =	smov.u32 s22  }
0x4c: {  	p1 =	slt.u32 s2, $0x1F30;
	_ =	sdelay $0x4  }
0x4d: {  	v3 =	vperm.xlane v4, v1;
	(xrf1) =	vunique.msk.u32 $0xffff, v4;
	_ =	sdelay $0xd  }
0x4e: {  	v6, _, _ =	vpop (xrf1)  }
0x4f: {  	vm5 =	vne.s32 v4, v5;
	vm4 =	veq.s32 v6, v2  }
0x50: {  	vm6 =	vlt.u32 v4, $0x2800;
	vm4 =	vmand vm5, vm4  }
0x51: {  	vm4 =	vmand vm6, vm4  }
0x52: {  	v4 =	vnsel vm4, $0xFFFFFFFF, v4  }
.Ltmp3:
0x53: {  	v5 =	vnsel vm6, $0xFFFFFFFE, v4;
	(pc) =	sbr.rel @p1 .LBB2_3-.Ltmp3, $3  }
0x54: {  	_ =	sdelay $0x1  }
0x55: {  	s22 =	sadd.s32 $0xFFFFFFF0, s22;
	s26 =	sadd.s32 $0xFFFFFFF0, s26;
	(ifvalue) =	ssetifvalue $0xFFFFFFFF  }
0x56: {  	[tilespmem:s26], [sflag:$0x8] =	stream.indirect_vreg.gather [hbm4b:s1+s16], $0x1, v4, vm0, $0x4038;
	[tilespmem:s28+$0x0] =	vst v5  }
0x57: {  	s2 =	sshrl.u32 s25, $0x3  }
0x58: {  	s0 =	sadd.s32 $0x9D40, s0;
	s2 =	sadd.s32 s9, s2  }
0x59: {  	[tilespmem:s0], [sflag:$0x8] =	stream.linear.gather [hbm:s2], $0x1F40, $0x38;
	[tilespmem:$0x11A60] =	vst v63  }
.LBB2_5:
0x5a: {  	p1 =	slt.u32 s24, $0x2  }
0x5b: {  	p2 =	sge.u32 @!p1 s24, s12  }
0x5c: {  	p1 =	por p1, p2  }
.Ltmp4:
0x5d: {  	_ = 	snop;
	(pc) =	sbr.rel @p1 .LBB2_9-.Ltmp4, $1  }
0x5e: {  	_ =	sdelay $0x3  }
0x5f: {  	s0 =	sadd.s32 $0xFFFFFFFE, s24  }
0x60: {  	s2 =	smulhi.u32 $0xAAAAAAAB, s0;
	_ =	sdelay $0x1  }
0x61: {  	s2 =	sshrl.u32 s2, $0x1  }
0x62: {  	s2 =	smul.u32 $0x3, s2;
	_ =	sdelay $0x1  }
0x63: {  	s0 =	ssub.s32 s0, s2  }
0x64: {  	_ =	swait.ge [sflag:s8], $0x3E80;
	s0 =	smul.u32 $0x1F40, s0  }
0x65: {  	p1 =	sne.s32 s24, s11;
	[sflag:s8] =	ssyncset.done $0x0  }
0x66: {  	[sflag:s8] =	ssyncadd.s32 $0xFFFFC180;
	s2 =	sadd.s32 @!p1 $0x203F, s0  }
0x67: {  	[spmem:s14] =	stream.linear.scatter @!p1 [tilespmem:s2], [sflag:$0x1], $0x1, $0x38;
	[tilespmem:$0x11A60] =	vst v63  }
0x68: {  	s2 =	simm.s32 @!p1 $0x1  }
0x69: {  	_ =	swait.ge @!p1 [sflag:s2], $0x1  }
0x6a: {  	s22 =	sshll.u32 s24, $0x4;
	[sflag:s2] =	ssyncset.done @!p1 $0x0  }
0x6b: {  	s25 =	sand.u32 $0x10, s22;
	[sflag:s2] =	ssyncadd.s32 @!p1 $0xFFFFFFFF  }
0x6c: {  	s2 =	sxor.u32 $0x10, s25;
	v4 =	vld [tilespmem:s25+$0x10]  }
0x6d: {  	v5 =	vld [tilespmem:s2+$0x60]  }
0x6e: {  	v3 =	vld [tilespmem:$0x80];
	_ =	sdelay $0x2  }
0x6f: {  	(v2sf) =	vpush v4, $0x0  }
0x70: {  	(v2sf) =	vpush v5, $0x0  }
0x71: {  	(v2sf) =	vpush v3, $0x0;
	_ =	sdelay $0xc  }
0x72: {  	s22 =	spop (v2sf)  }
0x73: {  	s26 =	spop (v2sf)  }
0x74: {  	s28 =	spop (v2sf)  }
0x75: {  	p2 =	seq.s32 s22, s26;
	p3 =	seq.s32 s28, s22  }
0x76: {  	p3 =	por p2, p3  }
0x77: {  	s26 =	sand.u32 $0x1, s24;
	v4 =	vpsel p3, $0xFFFFFFFF, v4  }
0x78: {  	s29 =	smul.u32 $0x1F40, s26;
	[tilespmem:s25+$0x10] =	vst.msk $0x1, v4  }
0x79: {  	v4 =	vld [tilespmem:$0x30]  }
0x7a: {  	v5 =	vld [tilespmem:s29+$0x9D40]  }
0x7b: {  	v6 =	vld [tilespmem:s25+$0x40];
	_ =	sdelay $0x3  }
0x7c: {  	vm4 =	vmmov vm1;
	v5 =	vadd.f32 v5, v4  }
0x7d: {  	vm5 =	vmmov vm2;
	vm4 =	vmmov @p2 vm2;
	s22 =	sshll.u32 s26, $0x4;
	v4 =	vadd.f32 v6, v4  }
0x7e: {  	s26 =	sor.u32 $0x11A40, s22;
	vm5 =	vmmov @p3 vm1;
	[tilespmem:s29+$0x9D40] =	vst.msk vm4, v5  }
0x7f: {  	[tilespmem:s26+$0x0] =	vst.msk vm5, v4  }
0x80: {  	v4 =	vld [tilespmem:s29+$0x7DF0];
	_ =	sdelay $0x3  }
0x81: {  	v5 =	vimm.f32 $0.0e+00  }
0x82: {  	v4 =	vshift.insert v4, v5, s21  }
0x83: {  	s22 =	sor.u32 $0x40, s2  }
0x84: {  	[tilespmem:s22+$0x0] =	vst.msk $0x1, v4  }
0x85: {  	[tilespmem:s29+$0x7DFF] =	vst.msk $0x1, v5  }
0x86: {  	v4 =	vld [tilespmem:s0+$0x2030];
	_ =	sdelay $0x1  }
0x87: {  	s22 =	smulhi.u32 $0xAAAAAAAB, s20;
	s0 =	simm.s32 $0x1  }
0x88: {  	s0 =	simm.s32 @!p0 $0x0  }
0x89: {  	s22 =	sshrl.u32 s22, $0x1;
	s0 =	smul.u32 $0x7D00, s0  }
0x8a: {  	s22 =	smul.u32 $0xFFFE8900, s22;
	v4 =	vshift.insert v4, v1, s21  }
0x8b: {  	s0 =	sshrl.u32 s0, $0x2  }
0x8c: {  	s22 =	sshra.s32 s22, $0x2;
	s30 =	sadd.s32 $0x9D40, s0;
	[tilespmem:s2+$0x10] =	vst.msk $0x1, v4  }
0x8d: {  	s22 =	sadd.s32 s22, s19;
	v6 =	vld [tilespmem:s30+$0x0]  }
0x8e: {  	v7 =	vld [tilespmem:s22+$0x0];
	_ =	sdelay $0x3  }
0x8f: {  	v5 =	vadd.f32 v6, v5  }
0x90: {  	vm4 =	vne.s32 v7, $0xFFFFFFFF  }
0x91: {  	(xrf2) =	vadd.seg.scan.f32 vm4, v5;
	_ =	sdelay $0x3  }
0x92: {  	s31 =	sadd.s32 $0x5EC0, s0;
	v5 =	vperm.xlane v4, v1  }
0x93: {  	v6 =	vld [tilespmem:s31+$0x0]  }
0x94: {  	vm5 =	veq.s32 v7, v3;
	vm6 =	veq.s32 v7, v5  }
0x95: {  	vm7 =	vgt.u32 v7, $0xFFFFFFFD;
	vm6 =	vmor vm6, vm5  }
0x96: {  	vm6 =	vmor vm6, vm7  }
0x97: {  	v9 =	vld [tilespmem:$0xA0];
	v7 =	vsel vm6, $0xFFFFFFFF, v7  }
0x98: {  	v10 =	vld [tilespmem:$0x90];
	v6 =	vsel vm5, $0x0, v6;
	v8, _, _ =	vpop (xrf2)  }
0x99: {  	v6 =	vadd.f32 v8, v6  }
0x9a: {  	s0 =	sadd.s32 $0xDBC0, s0  }
0x9b: {  	vm4 =	vmand vm4, vm3;
	[tilespmem:s0+$0x0] =	vst v6;
	(ifvalue) =	ssetifvalue $0xFFFFFFFF  }
0x9c: {  	vm6 =	veq.s32 v9, $0x1;
	[hbm4b:s1+s16] =	stream.indirect_vreg.scatter [tilespmem:s0], [sflag:$0x2], $0x1, v7, vm0, $0x4038;
	v7 =	vsel vm4, $0x0, v8;
	[tilespmem:$0x11A60] =	vst v63  }
0x9d: {  	s2 =	simm.s32 $0x0;
	s22 =	sadd.s32 $0x10, s22;
	vm4 =	vmor vm6, vm5;
	v6 =	vsel vm5, v8, v10;
	v7 =	vshift.insert v7, v0, s21  }
.LBB2_7:
0x9e: {  	v8 =	vld [tilespmem:s22+$0x0];
	s30 =	sadd.s32 $0x10, s30  }
0x9f: {  	s31 =	sadd.s32 $0x10, s31;
	v9 =	vld [tilespmem:s30+$0x0]  }
0xa0: {  	s2 =	sadd.s32 $0x10, s2;
	v10 =	vld [tilespmem:s31+$0x0]  }
0xa1: {  	p2 =	slt.u32 s2, $0x1F30;
	_ =	sdelay $0x2  }
0xa2: {  	v7 =	vadd.f32 v9, v7  }
0xa3: {  	vm5 =	vne.s32 v8, $0xFFFFFFFF  }
0xa4: {  	vm6 =	vmand vm5, vm3;
	(xrf2) =	vadd.seg.scan.f32 vm5, v7;
	_ =	sdelay $0x5  }
0xa5: {  	vm7 =	veq.s32 v8, v5;
	vm5 =	veq.s32 v8, v3  }
0xa6: {  	vm8 =	vgt.u32 v8, $0xFFFFFFFD;
	vm4 =	vmor vm4, vm5;
	vm7 =	vmor vm7, vm5  }
0xa7: {  	vm7 =	vmor vm7, vm8  }
0xa8: {  	v8 =	vsel vm7, $0xFFFFFFFF, v8  }
.Ltmp5:
0xa9: {  	v7 =	vsel vm5, $0x0, v10;
	v9, _, _ =	vpop (xrf2);
	(pc) =	sbr.rel @p2 .LBB2_7-.Ltmp5, $4  }
0xaa: {  	v6 =	vsel vm5, v9, v6;
	v10 =	vadd.f32 v9, v7;
	v7 =	vsel vm6, $0x0, v9  }
0xab: {  	s0 =	sadd.s32 $0x10, s0;
	v7 =	vshift.insert v7, v0, s21  }
0xac: {  	s22 =	sadd.s32 $0x10, s22;
	[tilespmem:s0+$0x0] =	vst v10;
	(ifvalue) =	ssetifvalue $0xFFFFFFFF  }
0xad: {  	[hbm4b:s1+s16] =	stream.indirect_vreg.scatter [tilespmem:s0], [sflag:$0x2], $0x1, v8, vm0, $0x4038;
	[tilespmem:$0x11A60] =	vst v63  }
0xae: {  	v3 =	vld [tilespmem:s29+$0xFAF0];
	_ =	sdelay $0x4  }
0xaf: {  	v3 =	vshift.insert v3, v0, s21  }
0xb0: {  	s0 =	simm.s32 $0x30  }
0xb1: {  	[tilespmem:s0+$0x0] =	vst.msk $0x1, v3  }
0xb2: {  	v3 =	vsel vm4, $0x1, v1;
	[tilespmem:$0x90] =	vst v6  }
0xb3: {  	s0 =	sadd.s32 @!p1 $0xFAFF, s29;
	[tilespmem:$0xA0] =	vst v3  }
0xb4: {  	[spmem:s15] =	stream.linear.scatter @!p1 [tilespmem:s0], [sflag:$0x1], $0x1, $0x38;
	[tilespmem:$0x11A60] =	vst v63  }
0xb5: {  	s0 =	simm.s32 @!p1 $0x1  }
0xb6: {  	v3 =	vmctz.xlane @!p1 vm4;
	_ =	swait.ge @!p1 [sflag:s0], $0x1  }
0xb7: {  	(v2sf) =	vpush @!p1 v4, $0x0  }
0xb8: {  	(v2sf) =	vpush @!p1 v3, $0x0;
	_ =	sdelay $0xd  }
0xb9: {  	s2 =	spop @!p1 (v2sf)  }
0xba: {  	s22 =	spop @!p1 (v2sf)  }
0xbb: {  	p2 =	sne.s32 @!p1 s28, s2;
	p3 =	slt.s32 @!p1 s22, $0xF  }
0xbc: {  	[sflag:s0] =	ssyncset.done @!p1 $0x0;
	p2 =	por p2, p1;
	p3 =	por !p3, p1  }
0xbd: {  	[sflag:s0] =	ssyncadd.s32 @!p1 $0xFFFFFFFF;
	v3 =	vimm.s32 @!p2 $0xFFFFFFFF;
	s22 =	simm.s32 @p3 $0xF  }
0xbe: {  	[tilespmem:$0x80] =	vst @!p2 v3;
	s2 =	sadd.s32 @!p1 $0x90, s22  }
0xbf: {  	[spmem:s4] =	stream.linear.scatter @!p1 [tilespmem:s2], [sflag:$0x1], $0x1, $0x38;
	[tilespmem:$0x11A60] =	vst v63  }
0xc0: {  	_ =	swait.ge @!p1 [sflag:s0], $0x1  }
0xc1: {  	[sflag:s0] =	ssyncset.done @!p1 $0x0  }
0xc2: {  	s2 =	simm.s32 @!p1 $0x80;
	[sflag:s0] =	ssyncadd.s32 @!p1 $0xFFFFFFFF  }
0xc3: {  	[spmem:s13] =	stream.linear.scatter @!p1 [tilespmem:s2], [sflag:$0x1], $0x1, $0x38;
	[tilespmem:$0x11A60] =	vst v63  }
0xc4: {  	_ =	swait.ge @!p1 [sflag:s0], $0x1  }
0xc5: {  	[sflag:s0] =	ssyncset.done @!p1 $0x0  }
0xc6: {  	[sflag:s0] =	ssyncadd.s32 @!p1 $0xFFFFFFFF;
	(ifvalue) =	ssetifvalue $0xFFFFFFFF;
	v3 =	vld [tilespmem:s25+$0x10];
	_ =	sdelay $0x3  }
.Ltmp6:
0xc7: {  	_ = 	snop;
	(pc) =	sbr.rel .LBB2_9-.Ltmp6, $3  }
0xc8: {  	_ =	sdelay $0x1  }
0xc9: {  	(ifvalue) =	ssetifvalue $0xFFFFFFFF  }
0xca: {  	[hbm4b:s1+s16] =	stream.indirect_vreg.scatter [tilespmem:s26], [sflag:$0x9], $0x1, v3, vm0, $0x4038;
	[tilespmem:$0x11A60] =	vst v63  }
.LBB2_10:
0xcb: {  	_ =	sfence.sel $0x180000  }
0xcc: {  	s0 =	simm.s32 $0x7;
	[bflag:$0x0] =	sbarrier.arrive $0xFFFF  }
0xcd: {  	s26 =	simm.s32 $0x8;
	[sflag:s0] =	ssyncpa.u1 $0x1  }
0xce: {  	s28 =	simm.s32 $0x9;
	[sflag:s26] =	ssyncpa.u1 $0x1  }
0xcf: {  	[sflag:s28] =	ssyncpa.u1 $0x1  }
0xd0: {  	_ =	sfence.stream.spmem  }
0xd1: {  	s29 =	simm.s32 $0x3;
	[bflag:$0x0] =	sbarrier.arrive $0xFFFF  }
0xd2: {  	s30 =	simm.s32 $0x4;
	[sflag:s29] =	ssyncpa.u1 $0x1  }
0xd3: {  	s31 =	simm.s32 $0x3C;
	s2 =	stileid.u32;
	[sflag:s30] =	ssyncpa.u1 $0x1  }
0xd4: {  	p0 =	sne.s32 s2, $0x0;
	[sflag:s31] =	ssyncpa.u1 $0x1  }
0xd5: {  	s0 =	simm.s32 @p0 $0x1;
	_ =	sfence @p0  }
0xd6: {  	[sflag:s0] =	ssyncpa.u1 @p0 $0x1;
	s0 =	simm.s32 @p0 $0x2  }
0xd7: {  	[sflag:s0] =	ssyncpa.u1 @p0 $0x1  }
0xd8: {  	_ =	strace @p0 $0x90000047  }
0xd9: {  	[bflag:$0x2] =	sbarrier.arrive @p0 $0xFFFF  }
0xda: {  	_ =	shalt @p0  }
.LBB2_11:
0xdb: {  	_ =	sfence.stream.spmem;
	s0 =	simm.s32 $0x5  }
0xdc: {  	s2 =	simm.s32 $0x80;
	s3 =	simm.s32 $0xC0;
	[sflag:s0] =	ssyncpa.u1 $0x0  }
0xdd: {  	[tilespmem:s3], [sflag:$0x5] =	stream.linear.gather [spmem:s2], $0x20, $0x38;
	[tilespmem:$0x11A60] =	vst v63  }
0xde: {  	s2 =	simm.s32 $0x0;
	s3 =	simm.s32 $0xE0  }
0xdf: {  	[tilespmem:s3], [sflag:$0x5] =	stream.linear.gather [spmem:s2], $0x20, $0x38;
	[tilespmem:$0x11A60] =	vst v63  }
.Ltmp7:
0xe0: {  	_ = 	snop;
	(pc) =	sbr.rel .LBB2_12-.Ltmp7, $4  }
0xe1: {  	_ =	swait.ge [sflag:s0], $0x40  }
0xe2: {  	[sflag:s0] =	ssyncset.done $0x0  }
0xe3: {  	s31 =	simm.s32 $0x6;
	[sflag:s0] =	ssyncadd.s32 $0xFFFFFFC0  }
0xe4: {  	s4 =	simm.s32 $0x0;
	[sflag:s31] =	ssyncpa.u1 $0x0  }
.LBB2_17:
0xe5: {  	p0 =	sgt.u32 s5, $0x27FF  }
0xe6: {  	s0 =	sshrl.u32 @!p0 s5, $0x3  }
0xe7: {  	s5 =	sand.u32 @!p0 $0x7, s5;
	s6 =	simm.s32 @!p0 $0xB0;
	s0 =	sadd.s32 @!p0 s1, s0  }
0xe8: {  	[tilespmem:s6], [sflag:$0x6] =	stream.linear.gather @!p0 [hbm4b:s0+s5], $0x1, $0x38;
	[tilespmem:$0x11A60] =	vst v63  }
0xe9: {  	s0 =	simm.s32 @!p0 $0x6  }
0xea: {  	_ =	swait.ge @!p0 [sflag:s0], $0x1  }
0xeb: {  	[sflag:s0] =	ssyncset.done @!p0 $0x0  }
0xec: {  	[sflag:s0] =	ssyncadd.s32 @!p0 $0xFFFFFFFF  }
0xed: {  	v2 =	vmov @!p0 s4;
	v1 =	vld.msk @!p0 [tilespmem:$0xB0], $0x1;
	_ =	sdelay $0x3  }
0xee: {  	s0 =	simm.s32 @!p0 $0xE0  }
0xef: {  	[tilespmem:v2+s0+$0x0], v1 =	vst.idx.ret.add.f32.msk @!p0 $0x1, v1  }
0xf0: {  	[tilespmem:s2+$0xC0] =	vst.msk $0x1, v0  }
0xf1: {  	v0 =	vld.msk [tilespmem:s4+$0xE0], $0x1;
	_ =	sdelay $0x4  }
0xf2: {  	[tilespmem:s2+$0xE0] =	vst.msk $0x1, v0;
	s2 =	sadd.s32 $0x1, s2  }
.LBB2_19:
0xf3: {  	s4 =	sadd.s32 $0x1, s4  }
0xf4: {  	p0 =	sne.s32 s4, $0x20  }
.Ltmp8:
0xf5: {  	_ = 	snop;
	(pc) =	sbr.rel @!p0 .LBB2_20-.Ltmp8, $1  }
0xf6: {  	_ =	sdelay $0x3  }
.LBB2_12:
0xf7: {  	v0 =	vld.msk [tilespmem:s4+$0xC0], $0x1;
	_ =	sdelay $0x4  }
0xf8: {  	(v2sf) =	vpush v0, $0x0;
	_ =	sdelay $0xe  }
0xf9: {  	s5 =	spop (v2sf)  }
0xfa: {  	p0 =	seq.s32 s5, $0xFFFFFFFF  }
.Ltmp9:
0xfb: {  	_ = 	snop;
	(pc) =	sbr.rel @p0 .LBB2_19-.Ltmp9, $1  }
0xfc: {  	_ =	sdelay $0x3  }
0xfd: {  	p0 =	slt.s32 s2, $0x1  }
.Ltmp10:
0xfe: {  	_ = 	snop;
	(pc) =	sbr.rel @p0 .LBB2_17-.Ltmp10, $1  }
0xff: {  	_ =	sdelay $0x3  }
0x100: {  	s0 =	simm.s32 $0xC0;
	p0 =	por $0x0, $0x0  }
0x101: {  	v1 =	vld.msk @!p0 [tilespmem:s0+$0x0], $0x1;
	_ =	sdelay $0x4  }
0x102: {  	(v2sf) =	vpush @!p0 v1, $0x0;
	_ =	sdelay $0xd  }
0x103: {  	p2 =	sne.s32 s2, $0x1  }
.Ltmp11:
0x104: {  	s6 =	spop @!p0 (v2sf);
	(pc) =	sbr.rel @!p2 .LBB2_16-.Ltmp11, $4  }
0x105: {  	p1 =	seq.s32 @!p0 s5, s6  }
0x106: {  	s6 =	simm.s32 $0x0;
	p1 =	por !p1, p0  }
0x107: {  	s8 =	simm.s32 $0xFFFFFFFF;
	s6 =	simm.s32 @p1 $0xFFFFFFFF  }
0x108: {  	s7 =	simm.s32 $0x1;
	s6 =	smov.u32 @p0 s8  }
.LBB2_15:
0x109: {  	s8 =	smov.u32 s6;
	p0 =	sne.s32 s6, $0xFFFFFFFF  }
0x10a: {  	s0 =	sadd.s32 $0x1, s0;
	s6 =	smov.u32 s7;
	s7 =	sadd.s32 $0x1, s7  }
0x10b: {  	p1 =	sne.s32 s2, s7;
	v1 =	vld.msk @!p0 [tilespmem:s0+$0x0], $0x1;
	_ =	sdelay $0x4  }
0x10c: {  	(v2sf) =	vpush @!p0 v1, $0x0;
	_ =	sdelay $0xe  }
.Ltmp12:
0x10d: {  	s9 =	spop @!p0 (v2sf);
	(pc) =	sbr.rel @p1 .LBB2_15-.Ltmp12, $4  }
0x10e: {  	p2 =	seq.s32 @!p0 s5, s9  }
0x10f: {  	p2 =	por !p2, p0  }
0x110: {  	s6 =	simm.s32 @p2 $0xFFFFFFFF  }
0x111: {  	s6 =	smov.u32 @p0 s8  }
.LBB2_16:
0x112: {  	p0 =	sne.s32 s6, $0xFFFFFFFF  }
.Ltmp13:
0x113: {  	_ = 	snop;
	(pc) =	sbr.rel @!p0 .LBB2_17-.Ltmp13, $1  }
0x114: {  	_ =	sdelay $0x3  }
0x115: {  	v0 =	vld.msk [tilespmem:s4+$0xE0], $0x1;
	v1 =	vmov s6  }
.Ltmp14:
0x116: {  	_ = 	snop;
	(pc) =	sbr.rel .LBB2_19-.Ltmp14, $2  }
0x117: {  	_ =	sdelay $0x2  }
0x118: {  	[tilespmem:v1+s3+$0x0], v0 =	vst.idx.ret.add.f32.msk $0x1, v0  }
.LBB2_20:
0x119: {  	p0 =	slt.s32 s2, $0x1  }
.Ltmp15:
0x11a: {  	_ = 	snop;
	(pc) =	sbr.rel @p0 .LBB2_24-.Ltmp15, $3  }
0x11b: {  	_ =	sdelay $0x1  }
0x11c: {  	s0 =	simm.s32 $0x6  }
0x11d: {  	s3 =	simm.s32 $0x0;
	[sflag:s0] =	ssyncpa.u1 $0x1  }
0x11e: {  	s0 =	simm.s32 $0xC0  }
0x11f: {  	v0 =	vld.msk [tilespmem:s0+$0x0], $0x1;
	_ =	sdelay $0x4  }
0x120: {  	(v2sf) =	vpush v0, $0x0;
	_ =	sdelay $0xe  }
0x121: {  	s2 =	sadd.s32 $0xFFFFFFFF, s2;
	s4 =	spop (v2sf)  }
0x122: {  	p1 =	sne.s32 s2, $0x0;
	p0 =	sgt.u32 s4, $0x27FF  }
.Ltmp16:
0x123: {  	s5 =	sshrl.u32 @!p0 s4, $0x3;
	(pc) =	sbr.rel @!p1 .LBB2_23-.Ltmp16, $4  }
0x124: {  	s0 =	simm.s32 $0xE0;
	s4 =	sand.u32 @!p0 $0x7, s4;
	s5 =	sadd.s32 @!p0 s1, s5  }
0x125: {  	[hbm4b:s5+s4] =	stream.linear.scatter @!p0 [tilespmem:s0], [sflag:$0x5], $0x1, $0x38;
	[tilespmem:$0x11A60] =	vst v63  }
0x126: {  	s5 =	simm.s32 $0x0  }
0x127: {  	s4 =	simm.s32 $0xC1;
	s5 =	simm.s32 @!p0 $0x4  }
.LBB2_22:
0x128: {  	v0 =	vld.msk [tilespmem:s4+$0x0], $0x1;
	s2 =	sadd.s32 $0xFFFFFFFF, s2;
	s3 =	sadd.s32 s3, s5  }
0x129: {  	p0 =	sne.s32 s2, $0x0;
	_ =	sdelay $0x3  }
0x12a: {  	(v2sf) =	vpush v0, $0x0;
	_ =	sdelay $0xe  }
.Ltmp17:
0x12b: {  	s6 =	spop (v2sf);
	(pc) =	sbr.rel @p0 .LBB2_22-.Ltmp17, $4  }
0x12c: {  	s5 =	simm.s32 $0x0;
	p1 =	sgt.u32 s6, $0x27FF  }
0x12d: {  	s0 =	sadd.s32 $0x1, s0;
	s5 =	simm.s32 @!p1 $0x4;
	s7 =	sshrl.u32 @!p1 s6, $0x3  }
0x12e: {  	s4 =	sadd.s32 $0x1, s4;
	s6 =	sand.u32 @!p1 $0x7, s6;
	s7 =	sadd.s32 @!p1 s1, s7  }
0x12f: {  	[hbm4b:s7+s6] =	stream.linear.scatter @!p1 [tilespmem:s0], [sflag:$0x5], $0x1, $0x38;
	[tilespmem:$0x11A60] =	vst v63  }
.LBB2_23:
0x130: {  	s0 =	sadd.s32 s3, s5  }
0x131: {  	s3 =	sshrl.u32 s0, $0x2  }
.LBB2_24:
0x132: {  	s0 =	simm.s32 $0x5  }
0x133: {  	_ =	swait.ge [sflag:s0], s3  }
0x134: {  	s1 =	ssub.s32 $0x0, s3;
	[sflag:s0] =	ssyncset.done $0x0  }
0x135: {  	[sflag:s0] =	ssyncadd.s32 s1  }
0x136: {  	[sflag:s0] =	ssyncpa.u1 $0x1  }
0x137: {  	s29 =	simm.s32 $0x1;
	_ =	sfence  }
0x138: {  	s30 =	simm.s32 $0x2;
	[sflag:s29] =	ssyncpa.u1 $0x1  }
0x139: {  	[sflag:s30] =	ssyncpa.u1 $0x1  }
0x13a: {  	_ =	strace $0x90000047  }
0x13b: {  	[bflag:$0x2] =	sbarrier.arrive $0xFFFF  }
0x13c: {  	s31 =	rddreg [dreg:$0x2]  }
0x13d: {  	s0 =	sadd.s32 $0x100000, s31  }
0x13e: {  	[sflag:s0] =	ssyncadd.tile.s32 $0x1;
	_ =	shalt  }
.Lfunc_end2:
_tile_overlayer_lowered:
.L_overlay_start_2:
0x13f: {  	(tag) =	ssettag $0x2  }
0x140: {  	s0 =	rddreg [dreg:$0x0];
	s2 =	stileid.u32  }
0x141: {  	s1 =	rddreg [dreg:$0x1];
	p0 =	sne.s32 s2, $0x0  }
0x142: {  	s3 =	rddreg [dreg:$0x2];
	[bflag:$0x3] =	sbarrier.arrive $0xFFFF;
	s2 =	simm.s32 @!p0 $0x1C01  }
0x143: {  	[timem:s3], [sflag:s2] =	dma.local @!p0 [hbm:s0], s1  }
0x144: {  	s0 =	simm.s32 @!p0 $0x1  }
0x145: {  	_ =	swait.ge @!p0 [sflag:s0], s1  }
0x146: {  	s1 =	ssub.s32 @!p0 $0x0, s1;
	[sflag:s0] =	ssyncset.done @!p0 $0x0  }
0x147: {  	[sflag:s0] =	ssyncadd.s32 @!p0 s1  }
0x148: {  	[bflag:$0x3] =	sbarrier.arrive $0xFFFF  }
0x149: {  	_ =	shalt  }

// kernel: sparse-core-data-format-call.1.cloned.1.call-start
scs
called_computation.2_lowered:
.L_overlay_start_0:
0x0: {  	s1 =	sld [smem:$0x3FD9]  }
0x1: {  	s2 =	sld [smem:$0x3FFE];
	_ =	sdelay $0x1  }
0x2: {  	s3 =	srdreg.scid  }
0x3: {  	s0 =	sand.u32 $0x1, s3  }
0x4: {  	s17 =	sshll.u32 s0, $0xA;
	s1 =	sadd.s32 s2, s1  }
0x5: {  	s1 =	sadd.s32 s1, s17  }
0x6: {  	[smem:$0x3FC2] =	sst s1  }
0x7: {  	_ = 	snop  }
0x8: {  	(tm) =	ssettm $0x1  }
0x9: {  	s18 =	sld [smem:$0x3FFB];
	_ =	sdelay $0x3  }
0xa: {  	_ =	strace s18  }
0xb: {  	s1 =	sld [smem:$0x3FFC];
	_ =	sdelay $0x3  }
0xc: {  	_ =	strace s1  }
0xd: {  	s1 =	sld [smem:$0x3FFD];
	_ =	sdelay $0x3  }
0xe: {  	_ =	strace s1  }
0xf: {  	_ =	strace $0x8FFFFFFF  }
0x10: {  	s19 =	sld [smem:$0x3FDB];
	_ =	sdelay $0x1  }
0x11: {  	s20 =	simm.s32 $_scs_section_size  }
0x12: {  	s4 =	simm.s32 $_size__tile_overlayer_lowered;
	s5 =	simm.s32 $_tile_overlayer_lowered  }
0x13: {  	s23 =	simm.s32 $0x1BFF;
	s22 =	sshll.u32 s5, $0x1;
	s1 =	sadd.s32 s20, s19  }
0x14: {  	s6 =	simm.s32 $0x0;
	s21 =	sshll.u32 s4, $0x1;
	s4 =	sadd.s32 s22, s1  }
0x15: {  	[timem:s6], [sflag:s23] =	dma.local [hbm:s4], s21  }
0x16: {  	_ =	swait.ge [sflag:s23], s21  }
0x17: {  	s2 =	ssub.s32 $0x0, s21;
	[sflag:s23] =	ssyncset.done $0x0  }
0x18: {  	[sflag:s23] =	ssyncadd.s32 s2;
	_ =	sdelay $0x1  }
0x19: {  	s24 =	simm.s32 $0x1B8B  }
0x1a: {  	_ =	swait.ge [sflag:s24], $0x1  }
0x1b: {  	[sflag:s24] =	ssyncset.done $0x0  }
0x1c: {  	s26 =	simm.s32 $0x1B8E;
	s25 =	sld [smem:$0x3FFE];
	[sflag:s24] =	ssyncadd.s32 $0xFFFFFFFF  }
0x1d: {  	s27 =	simm.s32 $execute0_lowered;
	[smem:$0x3FD2] =	sst s26  }
0x1e: {  	s4 =	sshll.u32 s27, $0x1;
	_ =	strace $0x80000049;
	[dreg:$0x1] =	wrdreg $0xFFFFFFFF  }
0x1f: {  	s28 =	simm.s32 $_size_execute0_lowered;
	s1 =	sadd.s32 s1, s4;
	[dreg:$0x0] =	wrdreg $0x0  }
0x20: {  	s4 =	sshll.u32 s28, $0x1;
	[dreg:$0x2] =	wrdreg s1  }
0x21: {  	[dreg:$0x3] =	wrdreg s4  }
0x22: {  	[dreg:$0x4] =	wrdreg $0xC0  }
0x23: {  	_ =	task [dreg:s6], $0x5FFFF  }
0x24: {  	[dreg:$0x1] =	wrdreg $0xFFFFFFFF  }
0x25: {  	[dreg:$0x0] =	wrdreg $0x60  }
0x26: {  	[dreg:$0x2] =	wrdreg s25  }
0x27: {  	[dreg:$0x3] =	wrdreg $0x9  }
0x28: {  	_ =	task.clear_ibuf [dreg:s6], $0x4FFFF;
	_ =	strace $0x90000049  }
0x29: {  	s29 =	simm.s32 $0x9;
	_ =	strace $0x8000004B  }
0x2a: {  	_ =	swait.ge [sflag:s29], $0x1  }
0x2b: {  	[sflag:s29] =	ssyncadd.s32 $0xFFFFFFFF  }
0x2c: {  	_ =	strace $0x9000004B  }
0x2d: {  	_ =	sfence  }
0x2e: {  	s30 =	sld [smem:$0x0];
	_ =	sdelay $0x2  }
0x2f: {  	s31 =	sshll.u32 s3, $0xD;
	s3 =	sshrl.u32 s3, $0x2  }
0x30: {  	s2 =	sand.u32 $0x4000, s31;
	s1 =	sadd.s32 s3, s30  }
0x31: {  	s0 =	sor.u32 s2, s0;
	s1 =	sshll.u32 s1, $0x11  }
0x32: {  	s0 =	sor.u32 s1, s0  }
0x33: {  	s0 =	sadd.s32 $0x8F2B, s0  }
0x34: {  	[sflag:s0] =	ssyncadd.remote.s32 $0x1  }
0x35: {  	_ =	sfence.sel $0xFFFF  }
0x36: {  	[dreg:$0x0] =	wrdreg $0xFFFFFFFF;
	(pc) =	sbr.abs _section_cstart, $3  }
0x37: {  	[dreg:$0x1] =	wrdreg $0xFFFFFFFF  }
0x38: {  	_ =	task.clear_ibuf [dreg:s6], $0x2FFFF;
	_ =	strace $0x9FFFFFFF  }
0x39: {  	(tm) =	ssettm $0x7FFFFFFF  }
tec
execute0_lowered:
.L_overlay_start_1:
0x0: {  	(tag) =	ssettag $0x1  }
0x1: {  	s0 =	srdreg.scid;
	s6 =	rddreg [dreg:$0x0]  }
0x2: {  	s7 =	simm.s32 $0x1;
	s8 =	simm.s32 $0x2;
	s1 =	sshll.u32 s0, $0x4  }
0x3: {  	s9 =	simm.s32 $0x0;
	s0 =	stileid.u32;
	s1 =	sand.u32 $0x10, s1  }
0x4: {  	s13 =	simm.s32 $0x0;
	s14 =	simm.s32 $0x0;
	s1 =	sor.u32 s0, s1  }
0x5: {  	s11 =	simm.s32 $0x0;
	s12 =	simm.s32 $0x0;
	s2 =	sshll.u32 s1, $0x4  }
0x6: {  	s19 =	simm.s32 $0x0;
	s3 =	sadd.s32 $0xB400, s6;
	s5 =	ssub.s32 $0x2710, s2  }
.Ltmp0:
0x7: {  	s6 =	sadd.s32 $0x143C00, s6;
	s4 =	sand.u32 $0x1F0, s5;
	(pc) =	sbr.rel .LBB1_1-.Ltmp0, $4  }
0x8: {  	s1 =	rddreg [dreg:$0x1];
	_ =	strace $0x8000004A;
	p0 =	sne.s32 s4, $0x0  }
0x9: {  	s5 =	sshrl.u32 s5, $0x9;
	s4 =	simm.s32 $0x1;
	s7 =	simm.s32 @!p0 $0x0  }
0xa: {  	s10 =	smov.u32 s2;
	[sflag:s4] =	ssyncpa.u1 $0x0;
	s5 =	sadd.s32 s7, s5  }
0xb: {  	[sflag:s8] =	ssyncpa.u1 $0x0;
	s8 =	simm.s32 $0x0;
	s7 =	sadd.s32 $0x1, s5  }
.LBB1_7:
0xc: {  	s15 =	sadd.s32 $0x200, s10  }
0xd: {  	s13 =	sadd.s32 $0x4, s11;
	s17 =	smov.u32 s11;
	p1 =	sgt.s32 s15, $0x270F  }
0xe: {  	s17 =	smov.u32 @p1 s13  }
0xf: {  	s15 =	smov.u32 @p1 s2;
	p1 =	sgt.s32 s17, $0x3  }
0x10: {  	s17 =	simm.s32 @p1 $0x0;
	p1 =	sne.s32 s12, s7  }
.Ltmp1:
0x11: {  	p0 =	slt.u32 s12, $0x2;
	(pc) =	sbr.rel @!p1 .LBB1_8-.Ltmp1, $4  }
0x12: {  	s16 =	simm.s32 @!p0 $0x2  }
0x13: {  	s14 =	smov.u32 s11;
	s9 =	sadd.s32 $0x4000, s9;
	_ =	swait.ge @!p0 [sflag:s16], $0x4000  }
0x14: {  	s13 =	smov.u32 s10;
	[sflag:s16] =	ssyncset.done @!p0 $0x0;
	s10 =	smov.u32 s15  }
0x15: {  	s12 =	sadd.s32 $0x1, s12;
	[sflag:s16] =	ssyncadd.s32 @!p0 $0xFFFFC000;
	s11 =	smov.u32 s17  }
.LBB1_1:
0x16: {  	p0 =	sge.u32 s12, s5  }
0x17: {  	s15 =	sshll.u32 @!p0 s10, $0x8;
	s16 =	sshll.u32 @!p0 s10, $0x7  }
0x18: {  	s15 =	sand.u32 @!p0 $0xFFFFF800, s15;
	s16 =	sand.u32 @!p0 $0x300, s16  }
0x19: {  	s15 =	sor.u32 @!p0 s16, s15  }
0x1a: {  	s15 =	sshrl.u32 @!p0 s15, $0x8  }
0x1b: {  	s16 =	smulhi.u32 @!p0 $0x1A36E3, s15;
	_ =	sdelay $0x1  }
0x1c: {  	s16 =	sshrl.u32 @!p0 s16, $0x2  }
0x1d: {  	s16 =	smul.u32 @!p0 $0x2710, s16  }
0x1e: {  	s31 =	sadd.s32 $0xFFFFFFFF, s12;
	s17 =	smul.u32 @!p0 $0x4E200, s11  }
0x1f: {  	s18 =	sxor.u32 @!p0 $0xFFFFFFFF, s12;
	s15 =	ssub.s32 @!p0 s15, s16;
	s16 =	sshll.u32 @!p0 s10, $0x4  }
0x20: {  	s18 =	sshll.u32 @!p0 s18, $0xE;
	s17 =	sadd.s32 @!p0 s3, s17;
	s16 =	sand.u32 @!p0 $0x10, s16  }
0x21: {  	s18 =	sand.u32 @!p0 $0x4000, s18;
	s15 =	sshll.u32 @!p0 s15, $0x5;
	s16 =	sadd.s32 @!p0 s16, s17  }
0x22: {  	s17 =	simm.s32 @!p0 $0x271000;
	s15 =	sadd.s32 @!p0 s15, s16;
	s16 =	simm.s32 @!p0 $0x1000  }
0x23: {  	[tilespmem:s18], [sflag:$0x1] =	stream.strided.gather @!p0 [hbm4b:s15+s16], $0x4000, s17, s16, $0x38;
	[tilespmem:$0x10000] =	vst v63  }
0x24: {  	p0 =	sge.u32 s31, s5  }
.Ltmp2:
0x25: {  	_ = 	snop;
	(pc) =	sbr.rel @p0 .LBB1_7-.Ltmp2, $1  }
0x26: {  	_ =	sdelay $0x3  }
0x27: {  	s15 =	sshll.u32 s9, $0x2;
	_ =	swait.ge [sflag:s4], $0x4000  }
0x28: {  	s31 =	sshll.u32 s12, $0xE;
	p0 =	por $0x0, $0x0;
	s20 =	simm.s32 $0x0  }
0x29: {  	s21 =	simm.s32 $0x0;
	s15 =	sand.u32 $0x10000, s15;
	[sflag:s4] =	ssyncset.done $0x0  }
0x2a: {  	s17 =	sand.u32 $0x4000, s31;
	s18 =	sshrl.u32 s15, $0x2;
	[sflag:s4] =	ssyncadd.s32 $0xFFFFC000  }
0x2b: {  	s15 =	sor.u32 $0x8000, s17;
	s16 =	sor.u32 $0x8210, s18;
	s18 =	sadd.s32 $0x8200, s18  }
.LBB1_3:
0x2c: {  	s22 =	sshll.u32 s21, $0xC  }
0x2d: {  	s29 =	sand.u32 $0x800, s19;
	s30 =	sand.u32 $0x380, s19;
	s23 =	sadd.s32 s22, s17;
	v1 =	vmov s22  }
0x2e: {  	v0 =	vmov s23;
	s23 =	sor.u32 s30, s29  }
0x2f: {  	s22 =	sand.u32 $0xB00, s23  }
0x30: {  	s24 =	sand.u32 $0x80, s19;
	s22 =	sadd.s32 s22, s17  }
0x31: {  	s24 =	sadd.s32 s24, s22  }
0x32: {  	s22 =	simm.s32 $0x1;
	v5 =	vld.idx.msk [tilespmem:v1+s24+$0x400 ss:$0x1], $0xffff  }
0x33: {  	s25 =	sshll.u32 s20, $0x2;
	s22 =	simm.s32 @!p0 $0x0;
	v7 =	vld.idx.msk [tilespmem:v1+s24+$0x0 ss:$0x1], $0xffff  }
0x34: {  	s25 =	sand.u32 $0xFFFFFC00, s25;
	v8 =	vld.idx.msk [tilespmem:v1+s24+$0x10 ss:$0x1], $0xffff;
	s22 =	sshll.u32 s22, $0x9  }
0x35: {  	v9 =	vld.idx.msk [tilespmem:v1+s24+$0x20 ss:$0x1], $0xffff;
	s22 =	sor.u32 s22, s25  }
0x36: {  	v10 =	vld.idx.msk [tilespmem:v1+s24+$0x30 ss:$0x1], $0xffff;
	s22 =	sshrl.u32 s22, $0x2  }
0x37: {  	v11 =	vld.idx.msk [tilespmem:v1+s24+$0x40 ss:$0x1], $0xffff;
	s22 =	sadd.s32 s22, s18  }
0x38: {  	v6 =	vld.idx.msk [tilespmem:v1+s24+$0x50 ss:$0x1], $0xffff;
	[tilespmem:s22+$0x0] =	vst v5  }
0x39: {  	v4 =	vld.idx.msk [tilespmem:v0+s23+$0x430 ss:$0x1], $0xffff;
	[tilespmem:s16+$0xFFFFFDF0] =	vst v7  }
0x3a: {  	v2 =	vld.idx.msk [tilespmem:v0+s23+$0x410 ss:$0x1], $0xffff;
	[tilespmem:s16+$0xFFFFFE00] =	vst v8  }
0x3b: {  	v3 =	vld.idx.msk [tilespmem:v0+s23+$0x420 ss:$0x1], $0xffff;
	[tilespmem:s16+$0xFFFFFE10] =	vst v9  }
0x3c: {  	v5 =	vld.idx.msk [tilespmem:v1+s24+$0x60 ss:$0x1], $0xffff;
	[tilespmem:s16+$0xFFFFFE20] =	vst v10  }
0x3d: {  	[tilespmem:s16+$0xFFFFFE30] =	vst v11;
	v7 =	vld.idx.msk [tilespmem:v0+s23+$0x460 ss:$0x1], $0xffff  }
0x3e: {  	[tilespmem:s16+$0x20] =	vst v4;
	v4 =	vld.idx.msk [tilespmem:v1+s24+$0x70 ss:$0x1], $0xffff  }
0x3f: {  	s31 =	simm.s32 $0x100;
	s26 =	simm.s32 $0x200;
	s25 =	simm.s32 $0x80;
	[tilespmem:s16+$0x0] =	vst v2;
	v2 =	vld.idx.msk [tilespmem:v0+s23+$0x440 ss:$0x1], $0xffff  }
0x40: {  	s27 =	sand.u32 $0x800, s31;
	s28 =	sand.u32 $0x380, s25;
	[tilespmem:s16+$0x10] =	vst v3;
	v3 =	vld.idx.msk [tilespmem:v0+s23+$0x450 ss:$0x1], $0xffff;
	s24 =	smov.u32 s16  }
.LBB1_4:
0x41: {  	p1 =	sne.s32 s26, $0xF00;
	[tilespmem:s24+$0xFFFFFE40] =	vst v6;
	v6 =	vld.idx.msk [tilespmem:v0+s23+$0x470 ss:$0x1], $0xffff;
	s23 =	sor.u32 s28, s27  }
0x42: {  	s27 =	sand.u32 $0xB00, s23;
	v8 =	vld.idx.msk [tilespmem:v0+s23+$0x410 ss:$0x1], $0xffff;
	[tilespmem:s24+$0xFFFFFE50] =	vst v5  }
0x43: {  	s28 =	sand.u32 $0x80, s25;
	s27 =	sadd.s32 s27, s17;
	v5 =	vld.idx.msk [tilespmem:v0+s23+$0x420 ss:$0x1], $0xffff;
	[tilespmem:s24+$0xFFFFFE60] =	vst v4  }
0x44: {  	s27 =	sadd.s32 s28, s27;
	v4 =	vld.idx.msk [tilespmem:v0+s23+$0x430 ss:$0x1], $0xffff;
	[tilespmem:s24+$0x30] =	vst v2  }
0x45: {  	v2 =	vld.idx.msk [tilespmem:v1+s27+$0x400 ss:$0x1], $0xffff;
	[tilespmem:s24+$0x40] =	vst v3  }
0x46: {  	v3 =	vld.idx.msk [tilespmem:v1+s27+$0x0 ss:$0x1], $0xffff;
	[tilespmem:s24+$0x50] =	vst v7  }
0x47: {  	v7 =	vld.idx.msk [tilespmem:v1+s27+$0x10 ss:$0x1], $0xffff;
	[tilespmem:s24+$0x60] =	vst v6;
	s24 =	sadd.s32 $0x400, s24  }
0x48: {  	v9 =	vld.idx.msk [tilespmem:v1+s27+$0x20 ss:$0x1], $0xffff;
	[tilespmem:s24+$0x0] =	vst v8  }
0x49: {  	v8 =	vld.idx.msk [tilespmem:v1+s27+$0x30 ss:$0x1], $0xffff;
	[tilespmem:s24+$0x10] =	vst v5  }
0x4a: {  	s22 =	sadd.s32 $0x400, s22;
	v10 =	vld.idx.msk [tilespmem:v1+s27+$0x40 ss:$0x1], $0xffff;
	[tilespmem:s24+$0x20] =	vst v4  }
0x4b: {  	v6 =	vld.idx.msk [tilespmem:v1+s27+$0x50 ss:$0x1], $0xffff;
	[tilespmem:s22+$0x0] =	vst v2  }
.Ltmp3:
0x4c: {  	[tilespmem:s24+$0xFFFFFDF0] =	vst v3;
	v5 =	vld.idx.msk [tilespmem:v1+s27+$0x60 ss:$0x1], $0xffff;
	(pc) =	sbr.rel @p1 .LBB1_4-.Ltmp3, $4  }
0x4d: {  	[tilespmem:s24+$0xFFFFFE00] =	vst v7;
	v4 =	vld.idx.msk [tilespmem:v1+s27+$0x70 ss:$0x1], $0xffff  }
0x4e: {  	[tilespmem:s24+$0xFFFFFE10] =	vst v9;
	v2 =	vld.idx.msk [tilespmem:v0+s23+$0x440 ss:$0x1], $0xffff  }
0x4f: {  	s25 =	sadd.s32 $0x80, s25;
	[tilespmem:s24+$0xFFFFFE20] =	vst v8;
	v3 =	vld.idx.msk [tilespmem:v0+s23+$0x450 ss:$0x1], $0xffff  }
0x50: {  	s28 =	sand.u32 $0x380, s25;
	s27 =	sand.u32 $0x800, s26;
	s26 =	sadd.s32 $0x100, s26;
	[tilespmem:s24+$0xFFFFFE30] =	vst v10;
	v7 =	vld.idx.msk [tilespmem:v0+s23+$0x460 ss:$0x1], $0xffff  }
0x51: {  	_ =	sdelay $0x2  }
0x52: {  	[tilespmem:s24+$0xFFFFFE40] =	vst v6  }
0x53: {  	s26 =	sor.u32 s28, s27;
	v47 =	vld.idx.msk [tilespmem:v0+s23+$0x470 ss:$0x1], $0xffff;
	[tilespmem:s24+$0xFFFFFE50] =	vst v5  }
0x54: {  	v48 =	vld.idx.msk [tilespmem:v0+s26+$0x410 ss:$0x1], $0xffff;
	[tilespmem:s24+$0xFFFFFE60] =	vst v4  }
0x55: {  	v49 =	vld.idx.msk [tilespmem:v0+s26+$0x420 ss:$0x1], $0xffff;
	[tilespmem:s24+$0x30] =	vst v2  }
0x56: {  	v50 =	vld.idx.msk [tilespmem:v0+s26+$0x430 ss:$0x1], $0xffff;
	[tilespmem:s24+$0x40] =	vst v3  }
0x57: {  	v60 =	vld.idx.msk [tilespmem:v0+s26+$0x440 ss:$0x1], $0xffff;
	[tilespmem:s24+$0x50] =	vst v7  }
0x58: {  	s31 =	sadd.s32 $0x400, s24;
	s30 =	sand.u32 $0xB00, s26;
	v61 =	vld.idx.msk [tilespmem:v0+s26+$0x450 ss:$0x1], $0xffff;
	[tilespmem:s24+$0x60] =	vst v47  }
0x59: {  	s25 =	sand.u32 $0x80, s25;
	v62 =	vld.idx.msk [tilespmem:v0+s26+$0x460 ss:$0x1], $0xffff;
	s23 =	sadd.s32 s30, s17;
	[tilespmem:s31+$0x0] =	vst v48  }
0x5a: {  	v63 =	vld.idx.msk [tilespmem:v0+s26+$0x470 ss:$0x1], $0xffff;
	s23 =	sadd.s32 s25, s23;
	[tilespmem:s31+$0x10] =	vst v49  }
0x5b: {  	v51 =	vld.idx.msk [tilespmem:v1+s23+$0x400 ss:$0x1], $0xffff;
	[tilespmem:s31+$0x20] =	vst v50  }
0x5c: {  	v52 =	vld.idx.msk [tilespmem:v1+s23+$0x0 ss:$0x1], $0xffff;
	[tilespmem:s31+$0x30] =	vst v60  }
0x5d: {  	v53 =	vld.idx.msk [tilespmem:v1+s23+$0x10 ss:$0x1], $0xffff;
	[tilespmem:s31+$0x40] =	vst v61  }
0x5e: {  	v54 =	vld.idx.msk [tilespmem:v1+s23+$0x20 ss:$0x1], $0xffff;
	[tilespmem:s31+$0x50] =	vst v62  }
0x5f: {  	s22 =	sadd.s32 $0x400, s22;
	v55 =	vld.idx.msk [tilespmem:v1+s23+$0x30 ss:$0x1], $0xffff;
	[tilespmem:s31+$0x60] =	vst v63  }
0x60: {  	v56 =	vld.idx.msk [tilespmem:v1+s23+$0x40 ss:$0x1], $0xffff;
	[tilespmem:s22+$0x0] =	vst v51  }
0x61: {  	v57 =	vld.idx.msk [tilespmem:v1+s23+$0x50 ss:$0x1], $0xffff;
	[tilespmem:s31+$0xFFFFFDF0] =	vst v52  }
0x62: {  	s21 =	sadd.s32 $0x1, s21;
	v58 =	vld.idx.msk [tilespmem:v1+s23+$0x60 ss:$0x1], $0xffff;
	[tilespmem:s31+$0xFFFFFE00] =	vst v53  }
0x63: {  	p1 =	sne.s32 s21, $0x4;
	v59 =	vld.idx.msk [tilespmem:v1+s23+$0x70 ss:$0x1], $0xffff;
	[tilespmem:s31+$0xFFFFFE10] =	vst v54  }
.Ltmp4:
0x64: {  	[tilespmem:s31+$0xFFFFFE20] =	vst v55;
	(pc) =	sbr.rel @p1 .LBB1_3-.Ltmp4, $4  }
0x65: {  	[tilespmem:s31+$0xFFFFFE30] =	vst v56  }
0x66: {  	[tilespmem:s31+$0xFFFFFE40] =	vst v57  }
0x67: {  	[tilespmem:s31+$0xFFFFFE50] =	vst v58  }
0x68: {  	s20 =	sadd.s32 $0x80, s20;
	p0 =	por !p0, !p0;
	s16 =	sadd.s32 $0x80, s16;
	[tilespmem:s31+$0xFFFFFE60] =	vst v59  }
.Ltmp5:
0x69: {  	s14 =	sshll.u32 s14, $0x4;
	(pc) =	sbr.rel .LBB1_7-.Ltmp5, $4  }
0x6a: {  	s14 =	sand.u32 $0x30, s14  }
0x6b: {  	s13 =	sshll.u32 s13, $0x7;
	s14 =	sadd.s32 s6, s14  }
0x6c: {  	s13 =	sadd.s32 s13, s14  }
0x6d: {  	[hbm4b:s13+s8] =	stream.linear.scatter [tilespmem:s15], [sflag:$0x2], $0x4000, $0x38;
	[tilespmem:$0x10000] =	vst v63  }
.LBB1_8:
0x6e: {  	_ =	sfence.sel $0x180000  }
0x6f: {  	s2 =	simm.s32 $0x1;
	[bflag:$0x0] =	sbarrier.arrive $0xFFFF  }
0x70: {  	s31 =	simm.s32 $0x2;
	[sflag:s2] =	ssyncpa.u1 $0x1  }
0x71: {  	[sflag:s31] =	ssyncpa.u1 $0x1  }
0x72: {  	p0 =	sne.s32 s0, $0x0;
	_ =	strace $0x9000004A  }
0x73: {  	s0 =	sadd.s32 @!p0 $0x100000, s1;
	[bflag:$0x2] =	sbarrier.arrive $0xFFFF  }
0x74: {  	[sflag:s0] =	ssyncadd.tile.s32 @!p0 $0x1;
	_ =	shalt  }
.Lfunc_end1:
_tile_overlayer_lowered:
.L_overlay_start_2:
0x75: {  	(tag) =	ssettag $0x2  }
0x76: {  	s0 =	rddreg [dreg:$0x0];
	s2 =	stileid.u32  }
0x77: {  	s1 =	rddreg [dreg:$0x1];
	p0 =	sne.s32 s2, $0x0  }
0x78: {  	s3 =	rddreg [dreg:$0x2];
	[bflag:$0x3] =	sbarrier.arrive $0xFFFF;
	s2 =	simm.s32 @!p0 $0x1C01  }
0x79: {  	[timem:s3], [sflag:s2] =	dma.local @!p0 [hbm:s0], s1  }
0x7a: {  	s0 =	simm.s32 @!p0 $0x1  }
0x7b: {  	_ =	swait.ge @!p0 [sflag:s0], s1  }
0x7c: {  	s1 =	ssub.s32 @!p0 $0x0, s1;
	[sflag:s0] =	ssyncset.done @!p0 $0x0  }
0x7d: {  	[sflag:s0] =	ssyncadd.s32 @!p0 s1  }
0x7e: {  	[bflag:$0x3] =	sbarrier.arrive $0xFFFF  }
0x7f: {  	_ =	shalt  }

// kernel: sparse-core-data-format-call.cloned.1.call-start
scs
called_computation.1_lowered:
.L_overlay_start_0:
0x0: {  	s1 =	sld [smem:$0x3FD9]  }
0x1: {  	s2 =	sld [smem:$0x3FFE];
	_ =	sdelay $0x1  }
0x2: {  	s3 =	srdreg.scid  }
0x3: {  	s0 =	sand.u32 $0x1, s3  }
0x4: {  	s17 =	sshll.u32 s0, $0xA;
	s1 =	sadd.s32 s2, s1  }
0x5: {  	s1 =	sadd.s32 s1, s17  }
0x6: {  	[smem:$0x3FC2] =	sst s1  }
0x7: {  	_ = 	snop  }
0x8: {  	(tm) =	ssettm $0x1  }
0x9: {  	s18 =	sld [smem:$0x3FFB];
	_ =	sdelay $0x3  }
0xa: {  	_ =	strace s18  }
0xb: {  	s1 =	sld [smem:$0x3FFC];
	_ =	sdelay $0x3  }
0xc: {  	_ =	strace s1  }
0xd: {  	s1 =	sld [smem:$0x3FFD];
	_ =	sdelay $0x3  }
0xe: {  	_ =	strace s1  }
0xf: {  	_ =	strace $0x8FFFFFFF  }
0x10: {  	s19 =	sld [smem:$0x3FDB];
	_ =	sdelay $0x1  }
0x11: {  	s20 =	simm.s32 $_scs_section_size  }
0x12: {  	s4 =	simm.s32 $_size__tile_overlayer_lowered;
	s5 =	simm.s32 $_tile_overlayer_lowered  }
0x13: {  	s23 =	simm.s32 $0x1BFF;
	s22 =	sshll.u32 s5, $0x1;
	s1 =	sadd.s32 s20, s19  }
0x14: {  	s6 =	simm.s32 $0x0;
	s21 =	sshll.u32 s4, $0x1;
	s4 =	sadd.s32 s22, s1  }
0x15: {  	[timem:s6], [sflag:s23] =	dma.local [hbm:s4], s21  }
0x16: {  	_ =	swait.ge [sflag:s23], s21  }
0x17: {  	s2 =	ssub.s32 $0x0, s21;
	[sflag:s23] =	ssyncset.done $0x0  }
0x18: {  	[sflag:s23] =	ssyncadd.s32 s2;
	_ =	sdelay $0x1  }
0x19: {  	s24 =	simm.s32 $0x1B8B  }
0x1a: {  	_ =	swait.ge [sflag:s24], $0x1  }
0x1b: {  	[sflag:s24] =	ssyncset.done $0x0  }
0x1c: {  	s26 =	simm.s32 $0x1B8E;
	s25 =	sld [smem:$0x3FFE];
	[sflag:s24] =	ssyncadd.s32 $0xFFFFFFFF  }
0x1d: {  	s27 =	simm.s32 $execute0_lowered;
	[smem:$0x3FD2] =	sst s26  }
0x1e: {  	s4 =	sshll.u32 s27, $0x1;
	_ =	strace $0x8000004F;
	[dreg:$0x1] =	wrdreg $0xFFFFFFFF  }
0x1f: {  	s28 =	simm.s32 $_size_execute0_lowered;
	s1 =	sadd.s32 s1, s4;
	[dreg:$0x0] =	wrdreg $0x0  }
0x20: {  	s4 =	sshll.u32 s28, $0x1;
	[dreg:$0x2] =	wrdreg s1  }
0x21: {  	[dreg:$0x3] =	wrdreg s4  }
0x22: {  	[dreg:$0x4] =	wrdreg $0xC0  }
0x23: {  	_ =	task [dreg:s6], $0x5FFFF  }
0x24: {  	[dreg:$0x1] =	wrdreg $0xFFFFFFFF  }
0x25: {  	[dreg:$0x0] =	wrdreg $0x60  }
0x26: {  	[dreg:$0x2] =	wrdreg s25  }
0x27: {  	[dreg:$0x3] =	wrdreg $0x9  }
0x28: {  	_ =	task.clear_ibuf [dreg:s6], $0x4FFFF;
	_ =	strace $0x9000004F  }
0x29: {  	s29 =	simm.s32 $0x9;
	_ =	strace $0x80000051  }
0x2a: {  	_ =	swait.ge [sflag:s29], $0x1  }
0x2b: {  	[sflag:s29] =	ssyncadd.s32 $0xFFFFFFFF  }
0x2c: {  	_ =	strace $0x90000051  }
0x2d: {  	_ =	sfence  }
0x2e: {  	s30 =	sld [smem:$0x0];
	_ =	sdelay $0x2  }
0x2f: {  	s31 =	sshll.u32 s3, $0xD;
	s3 =	sshrl.u32 s3, $0x2  }
0x30: {  	s2 =	sand.u32 $0x4000, s31;
	s1 =	sadd.s32 s3, s30  }
0x31: {  	s0 =	sor.u32 s2, s0;
	s1 =	sshll.u32 s1, $0x11  }
0x32: {  	s0 =	sor.u32 s1, s0  }
0x33: {  	s0 =	sadd.s32 $0x8F2B, s0  }
0x34: {  	[sflag:s0] =	ssyncadd.remote.s32 $0x1  }
0x35: {  	_ =	sfence.sel $0xFFFF  }
0x36: {  	[dreg:$0x0] =	wrdreg $0xFFFFFFFF;
	(pc) =	sbr.abs _section_cstart, $3  }
0x37: {  	[dreg:$0x1] =	wrdreg $0xFFFFFFFF  }
0x38: {  	_ =	task.clear_ibuf [dreg:s6], $0x2FFFF;
	_ =	strace $0x9FFFFFFF  }
0x39: {  	(tm) =	ssettm $0x7FFFFFFF  }
tec
execute0_lowered:
.L_overlay_start_1:
0x0: {  	(tag) =	ssettag $0x1  }
0x1: {  	s0 =	srdreg.scid  }
0x2: {  	s5 =	rddreg [dreg:$0x0];
	s4 =	simm.s32 $0x1;
	s1 =	sshll.u32 s0, $0x4  }
0x3: {  	s8 =	simm.s32 $0x2;
	s0 =	stileid.u32;
	s1 =	sand.u32 $0x10, s1  }
0x4: {  	s13 =	simm.s32 $0x0;
	s9 =	simm.s32 $0x271000;
	s2 =	sor.u32 s0, s1  }
0x5: {  	s10 =	simm.s32 $0x0;
	s12 =	simm.s32 $0x0;
	s2 =	sshll.u32 s2, $0x4  }
0x6: {  	s19 =	simm.s32 $0x0;
	s3 =	sadd.s32 $0x143C00, s5;
	s6 =	ssub.s32 $0x2710, s2  }
.Ltmp0:
0x7: {  	s1 =	rddreg [dreg:$0x1];
	s7 =	sand.u32 $0x1F0, s6;
	(pc) =	sbr.rel .LBB1_1-.Ltmp0, $4  }
0x8: {  	_ =	strace $0x80000050;
	p0 =	sne.s32 s7, $0x0;
	s7 =	simm.s32 $0x1  }
0x9: {  	[sflag:s4] =	ssyncpa.u1 $0x0;
	s6 =	sshrl.u32 s6, $0x9;
	s7 =	simm.s32 @!p0 $0x0  }
0xa: {  	s5 =	sadd.s32 $0x27C400, s5;
	[sflag:s8] =	ssyncpa.u1 $0x0;
	s6 =	sadd.s32 s7, s6  }
0xb: {  	s8 =	simm.s32 $0x1000;
	s11 =	smov.u32 s2;
	s7 =	sadd.s32 $0x1, s6  }
.LBB1_7:
0xc: {  	s15 =	sadd.s32 $0x200, s11  }
0xd: {  	p1 =	sgt.s32 s15, $0x270F  }
0xe: {  	s15 =	smov.u32 @p1 s2;
	p1 =	sne.s32 s12, s7  }
.Ltmp1:
0xf: {  	p0 =	slt.u32 s12, $0x2;
	(pc) =	sbr.rel @!p1 .LBB1_8-.Ltmp1, $4  }
0x10: {  	s14 =	simm.s32 @!p0 $0x2  }
0x11: {  	s16 =	sadd.s32 $0x1, s12;
	_ =	swait.ge @!p0 [sflag:s14], $0x4000  }
0x12: {  	s13 =	smov.u32 s11;
	s10 =	sadd.s32 $0x4000, s10;
	[sflag:s14] =	ssyncset.done @!p0 $0x0  }
0x13: {  	s12 =	smov.u32 s16;
	s11 =	smov.u32 s15;
	[sflag:s14] =	ssyncadd.s32 @!p0 $0xFFFFC000  }
.LBB1_1:
0x14: {  	p0 =	sge.u32 s12, s6  }
0x15: {  	s14 =	sxor.u32 @!p0 $0xFFFFFFFF, s12  }
0x16: {  	s31 =	sadd.s32 $0xFFFFFFFF, s12;
	s15 =	sshll.u32 @!p0 s11, $0x7;
	s14 =	sshll.u32 @!p0 s14, $0xE  }
0x17: {  	s16 =	simm.s32 @!p0 $0x0;
	s15 =	sadd.s32 @!p0 s3, s15;
	s14 =	sand.u32 @!p0 $0x4000, s14  }
0x18: {  	[tilespmem:s14], [sflag:$0x1] =	stream.linear.gather @!p0 [hbm4b:s15+s16], $0x4000, $0x38;
	[tilespmem:$0x10000] =	vst v63  }
0x19: {  	p0 =	sge.u32 s31, s6  }
.Ltmp2:
0x1a: {  	_ = 	snop;
	(pc) =	sbr.rel @p0 .LBB1_7-.Ltmp2, $1  }
0x1b: {  	_ =	sdelay $0x3  }
0x1c: {  	s14 =	sshll.u32 s10, $0x2  }
0x1d: {  	_ =	swait.ge [sflag:s4], $0x4000;
	s31 =	sshll.u32 s12, $0xE;
	p0 =	por $0x0, $0x0  }
0x1e: {  	s20 =	simm.s32 $0x0;
	s21 =	simm.s32 $0x0;
	s22 =	simm.s32 $0x0  }
0x1f: {  	s14 =	sand.u32 $0x10000, s14;
	[sflag:s4] =	ssyncset.done $0x0;
	s16 =	sand.u32 $0x4000, s31  }
0x20: {  	s18 =	sshrl.u32 s14, $0x2;
	[sflag:s4] =	ssyncadd.s32 $0xFFFFC000;
	s14 =	sor.u32 $0x8000, s16  }
0x21: {  	s15 =	sor.u32 $0x40, s18;
	s17 =	sor.u32 $0x8000, s18;
	s18 =	sadd.s32 $0x8470, s18  }
.LBB1_3:
0x22: {  	v1 =	vld [tilespmem:s15+$0x200]  }
0x23: {  	s23 =	sand.u32 $0x7, s20;
	s24 =	sshll.u32 s21, $0x2;
	v2 =	vld [tilespmem:s15+$0x0]  }
0x24: {  	v4 =	vld [tilespmem:s15+$0x1D0];
	s24 =	sand.u32 $0xFFFFE000, s24;
	s23 =	sshll.u32 s23, $0x9  }
0x25: {  	v6 =	vld [tilespmem:s15+$0x220];
	s24 =	sor.u32 s23, s24  }
0x26: {  	v9 =	vld [tilespmem:s15+$0x230];
	s23 =	sand.u32 $0xFFFFEC00, s24;
	s24 =	sshrl.u32 s24, $0x2  }
0x27: {  	v10 =	vld [tilespmem:s15+$0x210];
	s24 =	sadd.s32 s24, s18  }
0x28: {  	s25 =	simm.s32 $0x1;
	s30 =	sshll.u32 s22, $0xA;
	v7 =	vld [tilespmem:s15+$0x1E0];
	[tilespmem:s24+$0xFFFFFFD0] =	vst v1  }
0x29: {  	v5 =	vld [tilespmem:s15+$0x20];
	s25 =	simm.s32 @!p0 $0x0;
	v0 =	vmov s30;
	[tilespmem:s24+$0xFFFFFFA0] =	vst v4  }
0x2a: {  	v3 =	vld [tilespmem:s15+$0x30];
	s25 =	sshll.u32 s25, $0x9;
	[tilespmem:s24+$0xFFFFFFF0] =	vst v6  }
0x2b: {  	s31 =	sand.u32 $0x100, s19;
	v8 =	vld [tilespmem:s15+$0xFFFFFFC0];
	s23 =	sor.u32 s25, s23;
	[tilespmem:s24+$0x0] =	vst v9  }
0x2c: {  	s26 =	sand.u32 $0x80, s19;
	s25 =	sadd.s32 s31, s16;
	s23 =	sshrl.u32 s23, $0x2;
	v1 =	vld [tilespmem:s15+$0x1F0];
	[tilespmem:s24+$0xFFFFFFE0] =	vst v10  }
0x2d: {  	s25 =	sadd.s32 s26, s25;
	v4 =	vld [tilespmem:s15+$0xFFFFFFF0];
	[tilespmem:s24+$0xFFFFFFB0] =	vst v7;
	s23 =	sadd.s32 s23, s17  }
0x2e: {  	[tilespmem:s23+$0x60] =	vst v5;
	v5 =	vld.idx.msk [tilespmem:v0+s25+$0x200 ss:$0x1], $0xffff  }
0x2f: {  	[tilespmem:s23+$0x40] =	vst v2;
	v2 =	vld [tilespmem:s15+$0xFFFFFFD0]  }
0x30: {  	s28 =	simm.s32 $0x80;
	[tilespmem:s23+$0x70] =	vst v3;
	v3 =	vld [tilespmem:s15+$0x10]  }
0x31: {  	v6 =	vld [tilespmem:s15+$0xFFFFFFE0];
	s26 =	sadd.s32 $0x1000, s24;
	[tilespmem:s23+$0x0] =	vst v8;
	s25 =	sadd.s32 $0x80, s15;
	s27 =	smov.u32 s23  }
.LBB1_4:
0x32: {  	s29 =	sand.u32 $0x100, s28  }
0x33: {  	v7 =	vld [tilespmem:s25+$0x200];
	[tilespmem:s23+$0x400] =	vst v5;
	s27 =	sadd.s32 $0x1000, s27;
	s30 =	smov.u32 s28;
	s31 =	sadd.s32 $0x80, s28  }
0x34: {  	p1 =	sne.s32 s28, $0x180;
	v5 =	vld [tilespmem:s25+$0x0];
	s30 =	sand.u32 $0x80, s30;
	s29 =	sadd.s32 s29, s16;
	[tilespmem:s23+$0x10] =	vst v2  }
0x35: {  	v2 =	vld [tilespmem:s25+$0x30];
	s28 =	sadd.s32 s30, s29;
	[tilespmem:s23+$0x50] =	vst v3  }
0x36: {  	v3 =	vld [tilespmem:s25+$0x1D0];
	[tilespmem:s23+$0x30] =	vst v4  }
0x37: {  	v4 =	vld [tilespmem:s25+$0x20];
	[tilespmem:s23+$0x20] =	vst v6;
	s23 =	smov.u32 s27  }
0x38: {  	v8 =	vld [tilespmem:s25+$0x1E0];
	[tilespmem:s24+$0xFFFFFFC0] =	vst v1;
	s24 =	smov.u32 s26  }
0x39: {  	[tilespmem:s27+$0x40] =	vst v5;
	v1 =	vld [tilespmem:s25+$0x220]  }
0x3a: {  	v6 =	vld [tilespmem:s25+$0xFFFFFFC0];
	[tilespmem:s27+$0x70] =	vst v2  }
0x3b: {  	[tilespmem:s26+$0xFFFFFFD0] =	vst v7;
	v7 =	vld [tilespmem:s25+$0x230]  }
0x3c: {  	[tilespmem:s26+$0xFFFFFFA0] =	vst v3;
	v9 =	vld [tilespmem:s25+$0x210]  }
0x3d: {  	[tilespmem:s27+$0x60] =	vst v4;
	v5 =	vld.idx.msk [tilespmem:v0+s28+$0x200 ss:$0x1], $0xffff  }
.Ltmp3:
0x3e: {  	v2 =	vld [tilespmem:s25+$0xFFFFFFD0];
	[tilespmem:s26+$0xFFFFFFF0] =	vst v1;
	(pc) =	sbr.rel @p1 .LBB1_4-.Ltmp3, $4  }
0x3f: {  	[tilespmem:s27+$0x0] =	vst v6;
	v1 =	vld [tilespmem:s25+$0x1F0]  }
0x40: {  	v3 =	vld [tilespmem:s25+$0x10];
	[tilespmem:s26+$0x0] =	vst v7  }
0x41: {  	v4 =	vld [tilespmem:s25+$0xFFFFFFF0];
	[tilespmem:s26+$0xFFFFFFE0] =	vst v9  }
0x42: {  	s28 =	smov.u32 s31;
	s26 =	sadd.s32 $0x1000, s26;
	v6 =	vld [tilespmem:s25+$0xFFFFFFE0];
	[tilespmem:s24+$0xFFFFFFB0] =	vst v8;
	s25 =	sadd.s32 $0x80, s25  }
0x43: {  	s22 =	sadd.s32 $0x1, s22  }
0x44: {  	[tilespmem:s23+$0x400] =	vst v5;
	p1 =	sne.s32 s22, $0x10  }
.Ltmp4:
0x45: {  	[tilespmem:s23+$0x10] =	vst v2;
	(pc) =	sbr.rel @p1 .LBB1_3-.Ltmp4, $4  }
0x46: {  	[tilespmem:s24+$0xFFFFFFC0] =	vst v1  }
0x47: {  	[tilespmem:s23+$0x50] =	vst v3  }
0x48: {  	s15 =	sadd.s32 $0x400, s15;
	[tilespmem:s23+$0x30] =	vst v4  }
0x49: {  	s21 =	sadd.s32 $0x100, s21;
	s20 =	sadd.s32 $0x1, s20;
	p0 =	por !p0, !p0;
	[tilespmem:s23+$0x20] =	vst v6  }
0x4a: {  	s15 =	sshll.u32 s13, $0x8;
	s16 =	sshll.u32 s13, $0x7  }
0x4b: {  	s15 =	sand.u32 $0xFFFFF800, s15;
	s16 =	sand.u32 $0x300, s16  }
0x4c: {  	s15 =	sor.u32 s16, s15  }
0x4d: {  	s15 =	sshrl.u32 s15, $0x8  }
0x4e: {  	s30 =	smulhi.u32 $0x1A36E3, s15;
	_ =	sdelay $0x1  }
0x4f: {  	s16 =	sshrl.u32 s30, $0x2  }
0x50: {  	s16 =	smul.u32 $0x2710, s16  }
.Ltmp5:
0x51: {  	s31 =	sshll.u32 s13, $0x4;
	(pc) =	sbr.rel .LBB1_7-.Ltmp5, $4  }
0x52: {  	s13 =	sand.u32 $0x10, s31;
	s15 =	ssub.s32 s15, s16  }
0x53: {  	s13 =	sadd.s32 s5, s13;
	s15 =	sshll.u32 s15, $0x5  }
0x54: {  	s13 =	sadd.s32 s15, s13  }
0x55: {  	[hbm4b:s13+s8] =	stream.strided.scatter [tilespmem:s14], [sflag:$0x2], $0x4000, s9, s8, $0x38;
	[tilespmem:$0x10000] =	vst v63  }
.LBB1_8:
0x56: {  	_ =	sfence.sel $0x180000  }
0x57: {  	s2 =	simm.s32 $0x1;
	[bflag:$0x0] =	sbarrier.arrive $0xFFFF  }
0x58: {  	s31 =	simm.s32 $0x2;
	[sflag:s2] =	ssyncpa.u1 $0x1  }
0x59: {  	[sflag:s31] =	ssyncpa.u1 $0x1  }
0x5a: {  	p0 =	sne.s32 s0, $0x0;
	_ =	strace $0x90000050  }
0x5b: {  	s0 =	sadd.s32 @!p0 $0x100000, s1;
	[bflag:$0x2] =	sbarrier.arrive $0xFFFF  }
0x5c: {  	[sflag:s0] =	ssyncadd.tile.s32 @!p0 $0x1;
	_ =	shalt  }
.Lfunc_end1:
_tile_overlayer_lowered:
.L_overlay_start_2:
0x5d: {  	(tag) =	ssettag $0x2  }
0x5e: {  	s0 =	rddreg [dreg:$0x0];
	s2 =	stileid.u32  }
0x5f: {  	s1 =	rddreg [dreg:$0x1];
	p0 =	sne.s32 s2, $0x0  }
0x60: {  	s3 =	rddreg [dreg:$0x2];
	[bflag:$0x3] =	sbarrier.arrive $0xFFFF;
	s2 =	simm.s32 @!p0 $0x1C01  }
0x61: {  	[timem:s3], [sflag:s2] =	dma.local @!p0 [hbm:s0], s1  }
0x62: {  	s0 =	simm.s32 @!p0 $0x1  }
0x63: {  	_ =	swait.ge @!p0 [sflag:s0], s1  }
0x64: {  	s1 =	ssub.s32 @!p0 $0x0, s1;
	[sflag:s0] =	ssyncset.done @!p0 $0x0  }
0x65: {  	[sflag:s0] =	ssyncadd.s32 @!p0 s1  }
0x66: {  	[bflag:$0x3] =	sbarrier.arrive $0xFFFF  }
0x67: {  	_ =	shalt  }

</sc_bundles>
